<compile_context>
chip_gen: v7x
topology: tpu7x:2x2x1
jax: 0.10.2.dev20260603
libtpu: 0.0.44.dev20260713+nightly
codegen_flags: <defaults>
</compile_context>

<pallas_src>
import functools

import jax
import jax.numpy as jnp
from jax import lax
from jax.experimental import pallas as pl
from jax.experimental.pallas import tpu as pltpu
from jax.experimental.pallas import tpu_sc as plsc

V = 50000
H = 256
B = 16
L = 256
S = 4
R = 2
NT = 16

_NC = 2
_NS = 16
_NW = _NC * _NS
_TOTAL = B * L * S
_PER_W = _TOTAL // _NW
_CHUNK = 128

@functools.cache
def _sc_gather_fn():
    mesh = plsc.VectorSubcoreMesh(core_axis_name="c", subcore_axis_name="s",
                                  num_cores=_NC, num_subcores=_NS)

    @functools.partial(
        pl.kernel,
        mesh=mesh,
        out_type=jax.ShapeDtypeStruct((_TOTAL, H), jnp.float32),
        scratch_types=[
            pltpu.VMEM((_PER_W,), jnp.int32),
            pltpu.VMEM((_CHUNK, H), jnp.float32),
            pltpu.VMEM((_CHUNK, H), jnp.float32),
            pltpu.SemaphoreType.DMA,
            pltpu.SemaphoreType.DMA,
            pltpu.SemaphoreType.DMA,
            pltpu.SemaphoreType.DMA,
        ],
    )
    def _sc_gather(table_hbm, idx_hbm, out_hbm, idx_v, rows_a, rows_b,
                   gsem_a, gsem_b, wsem_a, wsem_b):
        wid = lax.axis_index("s") * _NC + lax.axis_index("c")
        base = wid * _PER_W
        pltpu.sync_copy(idx_hbm.at[pl.ds(base, _PER_W)], idx_v)
        bufs = (rows_a, rows_b)
        gsems = (gsem_a, gsem_b)
        wsems = (wsem_a, wsem_b)
        nchunk = _PER_W // _CHUNK
        gathers = [None, None]
        writes = [None, None]
        for c in range(nchunk):
            p = c % 2
            if writes[p] is not None:
                writes[p].wait()
            gathers[p] = pltpu.async_copy(
                table_hbm.at[idx_v.at[pl.ds(c * _CHUNK, _CHUNK)]],
                bufs[p], gsems[p])
            if c % 2 == 1 or c == nchunk - 1:
                for q in (0, 1):
                    if gathers[q] is not None:
                        gathers[q].wait()
                        writes[q] = pltpu.async_copy(
                            bufs[q],
                            out_hbm.at[pl.ds(base + (c - (c % 2) + q
                                                     ) * _CHUNK, _CHUNK)],
                            wsems[q])
                        gathers[q] = None
        for q in (0, 1):
            if writes[q] is not None:
                writes[q].wait()

    return _sc_gather


def _mm(a, b):
    return lax.dot_general(a, b, (((1,), (0,)), ((), ())),
                           preferred_element_type=jnp.float32)


def _mmT(a, b):
    return lax.dot_general(a, b, (((0,), (0,)), ((), ())),
                           preferred_element_type=jnp.float32)


def _gru_step(A, s, W_ref, U_ref, b_ref, mask, transpose):
    sb = s.astype(jnp.bfloat16)
    if transpose:
        m = _mmT(A, sb)
    else:
        m = _mm(A, sb)
    mb = m.astype(jnp.bfloat16)
    z = jax.nn.sigmoid(_mm(mb, W_ref[0]) + _mm(sb, U_ref[0]) + b_ref[0])
    r = jax.nn.sigmoid(_mm(mb, W_ref[1]) + _mm(sb, U_ref[1]) + b_ref[1])
    n = jnp.tanh(_mm(mb, W_ref[2]) + r * _mm(sb, U_ref[2]) + b_ref[2])
    return ((1.0 - z) * s + z * n) * mask


def _tc_body(len_ref, twf_ref, twb_ref, g_ref, tok_ref, deps_ref, et_ref,
             cm_ref, Wf_ref, Uf_ref, bf_ref, Wb_ref, Ub_ref, bb_ref,
             Wo1_ref, Wo2_ref, bo_ref, out_ref, hid_ref):
    b = pl.program_id(0)
    g3 = g_ref[...]
    tok = tok_ref[0]
    e = jnp.zeros((L, H), jnp.float32)
    for s in range(S):
        pad = (tok[:, s:s + 1] != 0).astype(jnp.float32)
        e = e + g3[s] * pad
    lenb = len_ref[b]
    mask = (lax.broadcasted_iota(jnp.int32, (L, 1), 0) < lenb
            ).astype(jnp.float32)
    sf = e
    sbk = e
    for r in range(R):
        base = deps_ref[0, r] * cm_ref[0, r] * jnp.float32(1.0 / L)
        et = et_ref[0, r]
        accf = jnp.take_along_axis(
            jnp.broadcast_to(twf_ref[...], (L, NT)), et, axis=1)
        accb = jnp.take_along_axis(
            jnp.broadcast_to(twb_ref[...], (L, NT)), et, axis=1)
        Af = (base * accf).astype(jnp.bfloat16)
        Ab = (base * accb).astype(jnp.bfloat16)
        sf = _gru_step(Af, sf, Wf_ref, Uf_ref, bf_ref, mask, False)
        sbk = _gru_step(Ab, sbk, Wb_ref, Ub_ref, bb_ref, mask, True)
    sfb = sf.astype(jnp.bfloat16)
    sbb = sbk.astype(jnp.bfloat16)
    out_ref[0] = _mm(sfb, Wo1_ref[...]) + _mm(sbb, Wo2_ref[...]) + bo_ref[0]
    inv = jnp.float32(1.0) / jnp.maximum(lenb, 1).astype(jnp.float32)
    hf = (sf.sum(axis=0, keepdims=True) * inv).astype(jnp.bfloat16)
    hb = (sbk.sum(axis=0, keepdims=True) * inv).astype(jnp.bfloat16)
    hid_ref[0] = _mm(hf, Wo1_ref[...]) + _mm(hb, Wo2_ref[...]) + bo_ref[0]


def _tc_call(lengths, tw_f, tw_b, g4, tok4, deps, edge_types, cell_mask,
             Wfb, Ufb, bf, Wbb, Ubb, bb, Wo1, Wo2, bo):
    smem = pl.BlockSpec(memory_space=pltpu.SMEM)
    full3 = lambda shape: pl.BlockSpec(shape, lambda b: (0, 0, 0))
    full2 = lambda shape: pl.BlockSpec(shape, lambda b: (0, 0))
    return pl.pallas_call(
        _tc_body,
        grid=(B,),
        in_specs=[
            smem,
            pl.BlockSpec((NT,), lambda b: (0,)),
            pl.BlockSpec((NT,), lambda b: (0,)),
            pl.BlockSpec((S, L, H), lambda b: (0, b, 0)),
            pl.BlockSpec((1, L, S), lambda b: (b, 0, 0)),
            pl.BlockSpec((1, R, L, L), lambda b: (b, 0, 0, 0)),
            pl.BlockSpec((1, R, L, L), lambda b: (b, 0, 0, 0)),
            pl.BlockSpec((1, R, L, L), lambda b: (b, 0, 0, 0)),
            full3((3, H, H)),
            full3((3, H, H)),
            full2((3, H)),
            full3((3, H, H)),
            full3((3, H, H)),
            full2((3, H)),
            full2((H, H)),
            full2((H, H)),
            full2((1, H)),
        ],
        out_specs=[
            pl.BlockSpec((1, L, H), lambda b: (b, 0, 0)),
            pl.BlockSpec((1, 1, H), lambda b: (b, 0, 0)),
        ],
        out_shape=[
            jax.ShapeDtypeStruct((B, L, H), jnp.float32),
            jax.ShapeDtypeStruct((B, 1, H), jnp.float32),
        ],
    )(lengths, tw_f, tw_b, g4, tok4, deps, edge_types, cell_mask,
      Wfb, Ufb, bf, Wbb, Ubb, bb, Wo1, Wo2, bo)


def kernel(input_seqs, input_lengths, deps, edge_types, cell_mask, emb,
           type_w_f, type_w_b, Wf, Uf, bf, Wb, Ub, bb, W_out, b_out):
    flat_idx = input_seqs.reshape(B * L, S).T.reshape(_TOTAL)
    gathered = _sc_gather_fn()(emb, flat_idx).reshape(S, B * L, H)
    bf16 = jnp.bfloat16
    outputs, hidden3 = _tc_call(
        input_lengths, type_w_f, type_w_b, gathered, input_seqs, deps,
        edge_types,
        cell_mask, Wf.astype(bf16), Uf.astype(bf16), bf,
        Wb.astype(bf16), Ub.astype(bf16), bb,
        W_out[:H].astype(bf16), W_out[H:].astype(bf16), b_out.reshape(1, H))
    return outputs, hidden3.reshape(B, H)

# --- scband reference (transcript-rebuilt; emitter-appended) ---
"""Pipeline reference for scband-graph-encoder-74259984548089 (READ-ONLY COPY).

The authoritative reference and input builder live on the scoring server;
editing this copy changes nothing except your own understanding.
"""

import jax, jax.numpy as jnp
import numpy as np

V = 50000; H = 256; B = 16; L = 256; S = 4; R = 2; NT = 16

def setup_inputs(seed: int = 0):
    key = jax.random.key(seed)
    ks = jax.random.split(key, 14)
    sc = 1.0 / np.sqrt(H)
    sc2 = 1.0 / np.sqrt(2 * H)
    return {
        "input_seqs": jax.random.randint(ks[0], (B, L, S), 0, V, dtype=jnp.int32),
        "input_lengths": jax.random.randint(ks[1], (B,), 0, L, dtype=jnp.int32),
        "deps": jax.random.uniform(ks[2], (B, R, L, L), dtype=jnp.float32),
        "edge_types": jax.random.randint(ks[3], (B, R, L, L), 0, NT, dtype=jnp.int32),
        "cell_mask": jax.random.uniform(ks[4], (B, R, L, L), dtype=jnp.float32),
        "emb": jax.random.normal(ks[5], (V, H), dtype=jnp.float32),
        "type_w_f": jax.random.normal(ks[6], (NT,), dtype=jnp.float32) * 0.1,
        "type_w_b": jax.random.normal(ks[7], (NT,), dtype=jnp.float32) * 0.1,
        "Wf": jax.random.normal(ks[8], (3, H, H), dtype=jnp.float32) * sc,
        "Uf": jax.random.normal(ks[9], (3, H, H), dtype=jnp.float32) * sc,
        "bf": jnp.zeros((3, H), dtype=jnp.float32),
        "Wb": jax.random.normal(ks[10], (3, H, H), dtype=jnp.float32) * sc,
        "Ub": jax.random.normal(ks[11], (3, H, H), dtype=jnp.float32) * sc,
        "bb": jnp.zeros((3, H), dtype=jnp.float32),
        "W_out": jax.random.normal(ks[12], (2 * H, H), dtype=jnp.float32) * sc2,
        "b_out": jnp.zeros((H,), dtype=jnp.float32),
    }

def _forward(input_seqs, input_lengths, edge_types, deps, cell_mask, emb, type_w_f, type_w_b, Wf, Uf, bf, Wb, Ub, bb, W_out, b_out):
    Bq, Lq, Sq = input_seqs.shape
    Hq = emb.shape[1]
    # gen_input_mask: positions < length
    mask = (jnp.arange(Lq)[None, :] < input_lengths[:, None]).astype(jnp.float32)
    # embedding with PAD (token 0) masking (gen_embedding_mask with PAD_token=0), summed over subtoken dim
    flat = input_seqs.reshape(Bq, -1)
    e = jnp.take(emb, flat, axis=0)
    pad = (flat != 0).astype(jnp.float32)[:, :, None]
    e = (e * pad).reshape(Bq, Lq, Sq, Hq).sum(2)
    # transpose deps/edge_types/cell_mask to [R, B, L, L] as in the original call
    deps_t = jnp.transpose(deps, (1, 0, 2, 3))
    et_t = jnp.transpose(edge_types, (1, 0, 2, 3))
    cm_t = jnp.transpose(cell_mask, (1, 0, 2, 3))
    def run_dir(s, tw, Wp, Up, bp, reverse):
        for r in range(deps_t.shape[0]):
            A = deps_t[r] * cm_t[r] * jnp.take(tw, et_t[r], axis=0)
            if reverse:
                A = jnp.swapaxes(A, 1, 2)
            m = jnp.einsum('bij,bjh->bih', A, s) / jnp.float32(Lq)
            z = jax.nn.sigmoid(m @ Wp[0] + s @ Up[0] + bp[0])
            rg = jax.nn.sigmoid(m @ Wp[1] + s @ Up[1] + bp[1])
            n = jnp.tanh(m @ Wp[2] + rg * (s @ Up[2]) + bp[2])
            s = ((1.0 - z) * s + z * n) * mask[:, :, None]
        return s
    sf = run_dir(e, type_w_f, Wf, Uf, bf, False)
    sb = run_dir(e, type_w_b, Wb, Ub, bb, True)
    denom = jnp.maximum(mask.sum(1, keepdims=True), 1.0)
    hf = sf.sum(1) / denom
    hb = sb.sum(1) / denom
    hidden_hat = jnp.concatenate([hf, hb], axis=1)
    outputs = jnp.concatenate([sf, sb], axis=-1) @ W_out + b_out
    hidden = hidden_hat @ W_out + b_out
    return outputs, hidden

def reference(input_seqs, input_lengths, deps, edge_types, cell_mask, emb, type_w_f, type_w_b, Wf, Uf, bf, Wb, Ub, bb, W_out, b_out):
    return _forward(input_seqs, input_lengths, edge_types, deps, cell_mask, emb, type_w_f, type_w_b, Wf, Uf, bf, Wb, Ub, bb, W_out, b_out)

if __name__ == "__main__":
    import jax
    _d = setup_inputs()
    print(jax.jit(kernel)(*tuple(_d.values())))

</pallas_src>

<mosaic_0001>
#map = affine_map<(d0, d1) -> (0, 0)>
#map1 = affine_map<(d0, d1) -> (0)>
module attributes {stable_mosaic.version = 14 : i64} {
  func.func @_sc_gather(%arg0: i32, %arg1: i32, %arg2: memref<50000x256xf32, #tpu.memory_space<hbm>>, %arg3: memref<16384xi32, #tpu.memory_space<hbm>>, %arg4: memref<16384x256xf32, #tpu.memory_space<hbm>>, %arg5: memref<512xi32, #tpu.memory_space<vmem>>, %arg6: memref<128x256xf32, #tpu.memory_space<vmem>>, %arg7: memref<128x256xf32, #tpu.memory_space<vmem>>, %arg8: memref<!tpu.dma_semaphore, #tpu.memory_space<semaphore_mem>>, %arg9: memref<!tpu.dma_semaphore, #tpu.memory_space<semaphore_mem>>, %arg10: memref<!tpu.dma_semaphore, #tpu.memory_space<semaphore_mem>>, %arg11: memref<!tpu.dma_semaphore, #tpu.memory_space<semaphore_mem>>) attributes {dimension_semantics = [#tpu.dimension_semantics<core_parallel>, #tpu.dimension_semantics<subcore_parallel>], iteration_bounds = array<i64: 2, 16>, scalar_prefetch = 0 : i64, scratch_operands = 7 : i64, tpu.core_type = #tpu.core_type<sc_vector_subcore>, window_params = [{transform_indices = #map}, {transform_indices = #map1}, {transform_indices = #map}]} {
    %mul3A = arith.constant 2 : i32
    %mul3A_0 = arith.muli %arg1, %mul3A : i32
    %add3A = arith.addi %mul3A_0, %arg0 : i32
    %mul3A_1 = arith.constant 512 : i32
    %mul3A_2 = arith.muli %add3A, %mul3A_1 : i32
    "tpu.region"() ({
      %run_scoped3A = tpu.sem_alloc : memref<!tpu.dma_semaphore, #tpu.memory_space<semaphore_mem>>
      %dma_start3A_81 = tpu.memref_slice %arg3[%mul3A_2] : memref<16384xi32, #tpu.memory_space<hbm>> -> memref<512xi32, #tpu.memory_space<hbm>>
      %dma_start3A_82 = tpu.memref_slice %arg3[%mul3A_2] : memref<16384xi32, #tpu.memory_space<hbm>> -> memref<512xi32, #tpu.memory_space<hbm>>
      tpu.enqueue_dma source(%dma_start3A_82 : memref<512xi32, #tpu.memory_space<hbm>>) target(%arg5 : memref<512xi32, #tpu.memory_space<vmem>>) target_semaphore(%run_scoped3A : memref<!tpu.dma_semaphore, #tpu.memory_space<semaphore_mem>>)
      %dma_wait3A_83 = tpu.memref_slice %arg3[%mul3A_2] : memref<16384xi32, #tpu.memory_space<hbm>> -> memref<512xi32, #tpu.memory_space<hbm>>
      %dma_wait3A_84 = tpu.memref_slice %arg3[%mul3A_2] : memref<16384xi32, #tpu.memory_space<hbm>> -> memref<512xi32, #tpu.memory_space<hbm>>
      tpu.wait_dma2 semaphore(%run_scoped3A : memref<!tpu.dma_semaphore, #tpu.memory_space<semaphore_mem>>) src(%dma_wait3A_84 : memref<512xi32, #tpu.memory_space<hbm>>) dst(%arg5 : memref<512xi32, #tpu.memory_space<vmem>>)
      tpu.yield
    }) : () -> ()
    %dma_start3A = arith.constant 0 : i32
    %dma_start3A_3 = tpu.memref_slice %arg5[%dma_start3A] : memref<512xi32, #tpu.memory_space<vmem>> -> memref<128xi32, #tpu.memory_space<vmem>>
    %dma_start3A_4 = arith.constant 0 : i32
    %dma_start3A_5 = arith.constant 0 : i32
    %dma_start3A_6 = tpu.memref_slice %arg2[%dma_start3A_4, %dma_start3A_5] : memref<50000x256xf32, #tpu.memory_space<hbm>> -> memref<50000x256xf32, #tpu.memory_space<hbm>>
    tpu.enqueue_indirect_dma source(%dma_start3A_6 : memref<50000x256xf32, #tpu.memory_space<hbm>>) target(%arg6 : memref<128x256xf32, #tpu.memory_space<vmem>>) offsets(%dma_start3A_3 : memref<128xi32, #tpu.memory_space<vmem>>) semaphore(%arg8 : memref<!tpu.dma_semaphore, #tpu.memory_space<semaphore_mem>>)
    %dma_start3A_7 = arith.constant 128 : i32
    %dma_start3A_8 = tpu.memref_slice %arg5[%dma_start3A_7] : memref<512xi32, #tpu.memory_space<vmem>> -> memref<128xi32, #tpu.memory_space<vmem>>
    %dma_start3A_9 = arith.constant 0 : i32
    %dma_start3A_10 = arith.constant 0 : i32
    %dma_start3A_11 = tpu.memref_slice %arg2[%dma_start3A_9, %dma_start3A_10] : memref<50000x256xf32, #tpu.memory_space<hbm>> -> memref<50000x256xf32, #tpu.memory_space<hbm>>
    tpu.enqueue_indirect_dma source(%dma_start3A_11 : memref<50000x256xf32, #tpu.memory_space<hbm>>) target(%arg7 : memref<128x256xf32, #tpu.memory_space<vmem>>) offsets(%dma_start3A_8 : memref<128xi32, #tpu.memory_space<vmem>>) semaphore(%arg9 : memref<!tpu.dma_semaphore, #tpu.memory_space<semaphore_mem>>)
    %dma_wait3A = arith.constant 0 : i32
    %dma_wait3A_12 = tpu.memref_slice %arg5[%dma_wait3A] : memref<512xi32, #tpu.memory_space<vmem>> -> memref<128xi32, #tpu.memory_space<vmem>>
    %dma_wait3A_13 = arith.constant 0 : i32
    %dma_wait3A_14 = arith.constant 0 : i32
    %dma_wait3A_15 = tpu.memref_slice %arg2[%dma_wait3A_13, %dma_wait3A_14] : memref<50000x256xf32, #tpu.memory_space<hbm>> -> memref<50000x256xf32, #tpu.memory_space<hbm>>
    tpu.wait_indirect_dma semaphore(%arg8 : memref<!tpu.dma_semaphore, #tpu.memory_space<semaphore_mem>>) src(%dma_wait3A_15 : memref<50000x256xf32, #tpu.memory_space<hbm>>) dst(%arg6 : memref<128x256xf32, #tpu.memory_space<vmem>>)
    %add3A_16 = arith.constant 0 : i32
    %add3A_17 = arith.addi %mul3A_2, %add3A_16 : i32
    %dma_start3A_18 = arith.constant 0 : i32
    %dma_start3A_19 = tpu.memref_slice %arg4[%add3A_17, %dma_start3A_18] : memref<16384x256xf32, #tpu.memory_space<hbm>> -> memref<128x256xf32, #tpu.memory_space<hbm>>
    %dma_start3A_20 = arith.constant 0 : i32
    %dma_start3A_21 = tpu.memref_slice %arg4[%add3A_17, %dma_start3A_20] : memref<16384x256xf32, #tpu.memory_space<hbm>> -> memref<128x256xf32, #tpu.memory_space<hbm>>
    tpu.enqueue_dma source(%arg6 : memref<128x256xf32, #tpu.memory_space<vmem>>) target(%dma_start3A_21 : memref<128x256xf32, #tpu.memory_space<hbm>>) target_semaphore(%arg10 : memref<!tpu.dma_semaphore, #tpu.memory_space<semaphore_mem>>)
    %dma_wait3A_22 = arith.constant 128 : i32
    %dma_wait3A_23 = tpu.memref_slice %arg5[%dma_wait3A_22] : memref<512xi32, #tpu.memory_space<vmem>> -> memref<128xi32, #tpu.memory_space<vmem>>
    %dma_wait3A_24 = arith.constant 0 : i32
    %dma_wait3A_25 = arith.constant 0 : i32
    %dma_wait3A_26 = tpu.memref_slice %arg2[%dma_wait3A_24, %dma_wait3A_25] : memref<50000x256xf32, #tpu.memory_space<hbm>> -> memref<50000x256xf32, #tpu.memory_space<hbm>>
    tpu.wait_indirect_dma semaphore(%arg9 : memref<!tpu.dma_semaphore, #tpu.memory_space<semaphore_mem>>) src(%dma_wait3A_26 : memref<50000x256xf32, #tpu.memory_space<hbm>>) dst(%arg7 : memref<128x256xf32, #tpu.memory_space<vmem>>)
    %add3A_27 = arith.constant 128 : i32
    %add3A_28 = arith.addi %mul3A_2, %add3A_27 : i32
    %dma_start3A_29 = arith.constant 0 : i32
    %dma_start3A_30 = tpu.memref_slice %arg4[%add3A_28, %dma_start3A_29] : memref<16384x256xf32, #tpu.memory_space<hbm>> -> memref<128x256xf32, #tpu.memory_space<hbm>>
    %dma_start3A_31 = arith.constant 0 : i32
    %dma_start3A_32 = tpu.memref_slice %arg4[%add3A_28, %dma_start3A_31] : memref<16384x256xf32, #tpu.memory_space<hbm>> -> memref<128x256xf32, #tpu.memory_space<hbm>>
    tpu.enqueue_dma source(%arg7 : memref<128x256xf32, #tpu.memory_space<vmem>>) target(%dma_start3A_32 : memref<128x256xf32, #tpu.memory_space<hbm>>) target_semaphore(%arg11 : memref<!tpu.dma_semaphore, #tpu.memory_space<semaphore_mem>>)
    %dma_wait3A_33 = arith.constant 0 : i32
    %dma_wait3A_34 = tpu.memref_slice %arg4[%add3A_17, %dma_wait3A_33] : memref<16384x256xf32, #tpu.memory_space<hbm>> -> memref<128x256xf32, #tpu.memory_space<hbm>>
    %dma_wait3A_35 = arith.constant 0 : i32
    %dma_wait3A_36 = tpu.memref_slice %arg4[%add3A_17, %dma_wait3A_35] : memref<16384x256xf32, #tpu.memory_space<hbm>> -> memref<128x256xf32, #tpu.memory_space<hbm>>
    tpu.wait_dma2 semaphore(%arg10 : memref<!tpu.dma_semaphore, #tpu.memory_space<semaphore_mem>>) src(%arg6 : memref<128x256xf32, #tpu.memory_space<vmem>>) dst(%dma_wait3A_36 : memref<128x256xf32, #tpu.memory_space<hbm>>)
    %dma_start3A_37 = arith.constant 256 : i32
    %dma_start3A_38 = tpu.memref_slice %arg5[%dma_start3A_37] : memref<512xi32, #tpu.memory_space<vmem>> -> memref<128xi32, #tpu.memory_space<vmem>>
    %dma_start3A_39 = arith.constant 0 : i32
    %dma_start3A_40 = arith.constant 0 : i32
    %dma_start3A_41 = tpu.memref_slice %arg2[%dma_start3A_39, %dma_start3A_40] : memref<50000x256xf32, #tpu.memory_space<hbm>> -> memref<50000x256xf32, #tpu.memory_space<hbm>>
    tpu.enqueue_indirect_dma source(%dma_start3A_41 : memref<50000x256xf32, #tpu.memory_space<hbm>>) target(%arg6 : memref<128x256xf32, #tpu.memory_space<vmem>>) offsets(%dma_start3A_38 : memref<128xi32, #tpu.memory_space<vmem>>) semaphore(%arg8 : memref<!tpu.dma_semaphore, #tpu.memory_space<semaphore_mem>>)
    %dma_wait3A_42 = arith.constant 0 : i32
    %dma_wait3A_43 = tpu.memref_slice %arg4[%add3A_28, %dma_wait3A_42] : memref<16384x256xf32, #tpu.memory_space<hbm>> -> memref<128x256xf32, #tpu.memory_space<hbm>>
    %dma_wait3A_44 = arith.constant 0 : i32
    %dma_wait3A_45 = tpu.memref_slice %arg4[%add3A_28, %dma_wait3A_44] : memref<16384x256xf32, #tpu.memory_space<hbm>> -> memref<128x256xf32, #tpu.memory_space<hbm>>
    tpu.wait_dma2 semaphore(%arg11 : memref<!tpu.dma_semaphore, #tpu.memory_space<semaphore_mem>>) src(%arg7 : memref<128x256xf32, #tpu.memory_space<vmem>>) dst(%dma_wait3A_45 : memref<128x256xf32, #tpu.memory_space<hbm>>)
    %dma_start3A_46 = arith.constant 384 : i32
    %dma_start3A_47 = tpu.memref_slice %arg5[%dma_start3A_46] : memref<512xi32, #tpu.memory_space<vmem>> -> memref<128xi32, #tpu.memory_space<vmem>>
    %dma_start3A_48 = arith.constant 0 : i32
    %dma_start3A_49 = arith.constant 0 : i32
    %dma_start3A_50 = tpu.memref_slice %arg2[%dma_start3A_48, %dma_start3A_49] : memref<50000x256xf32, #tpu.memory_space<hbm>> -> memref<50000x256xf32, #tpu.memory_space<hbm>>
    tpu.enqueue_indirect_dma source(%dma_start3A_50 : memref<50000x256xf32, #tpu.memory_space<hbm>>) target(%arg7 : memref<128x256xf32, #tpu.memory_space<vmem>>) offsets(%dma_start3A_47 : memref<128xi32, #tpu.memory_space<vmem>>) semaphore(%arg9 : memref<!tpu.dma_semaphore, #tpu.memory_space<semaphore_mem>>)
    %dma_wait3A_51 = arith.constant 256 : i32
    %dma_wait3A_52 = tpu.memref_slice %arg5[%dma_wait3A_51] : memref<512xi32, #tpu.memory_space<vmem>> -> memref<128xi32, #tpu.memory_space<vmem>>
    %dma_wait3A_53 = arith.constant 0 : i32
    %dma_wait3A_54 = arith.constant 0 : i32
    %dma_wait3A_55 = tpu.memref_slice %arg2[%dma_wait3A_53, %dma_wait3A_54] : memref<50000x256xf32, #tpu.memory_space<hbm>> -> memref<50000x256xf32, #tpu.memory_space<hbm>>
    tpu.wait_indirect_dma semaphore(%arg8 : memref<!tpu.dma_semaphore, #tpu.memory_space<semaphore_mem>>) src(%dma_wait3A_55 : memref<50000x256xf32, #tpu.memory_space<hbm>>) dst(%arg6 : memref<128x256xf32, #tpu.memory_space<vmem>>)
    %add3A_56 = arith.constant 256 : i32
    %add3A_57 = arith.addi %mul3A_2, %add3A_56 : i32
    %dma_start3A_58 = arith.constant 0 : i32
    %dma_start3A_59 = tpu.memref_slice %arg4[%add3A_57, %dma_start3A_58] : memref<16384x256xf32, #tpu.memory_space<hbm>> -> memref<128x256xf32, #tpu.memory_space<hbm>>
    %dma_start3A_60 = arith.constant 0 : i32
    %dma_start3A_61 = tpu.memref_slice %arg4[%add3A_57, %dma_start3A_60] : memref<16384x256xf32, #tpu.memory_space<hbm>> -> memref<128x256xf32, #tpu.memory_space<hbm>>
    tpu.enqueue_dma source(%arg6 : memref<128x256xf32, #tpu.memory_space<vmem>>) target(%dma_start3A_61 : memref<128x256xf32, #tpu.memory_space<hbm>>) target_semaphore(%arg10 : memref<!tpu.dma_semaphore, #tpu.memory_space<semaphore_mem>>)
    %dma_wait3A_62 = arith.constant 384 : i32
    %dma_wait3A_63 = tpu.memref_slice %arg5[%dma_wait3A_62] : memref<512xi32, #tpu.memory_space<vmem>> -> memref<128xi32, #tpu.memory_space<vmem>>
    %dma_wait3A_64 = arith.constant 0 : i32
    %dma_wait3A_65 = arith.constant 0 : i32
    %dma_wait3A_66 = tpu.memref_slice %arg2[%dma_wait3A_64, %dma_wait3A_65] : memref<50000x256xf32, #tpu.memory_space<hbm>> -> memref<50000x256xf32, #tpu.memory_space<hbm>>
    tpu.wait_indirect_dma semaphore(%arg9 : memref<!tpu.dma_semaphore, #tpu.memory_space<semaphore_mem>>) src(%dma_wait3A_66 : memref<50000x256xf32, #tpu.memory_space<hbm>>) dst(%arg7 : memref<128x256xf32, #tpu.memory_space<vmem>>)
    %add3A_67 = arith.constant 384 : i32
    %add3A_68 = arith.addi %mul3A_2, %add3A_67 : i32
    %dma_start3A_69 = arith.constant 0 : i32
    %dma_start3A_70 = tpu.memref_slice %arg4[%add3A_68, %dma_start3A_69] : memref<16384x256xf32, #tpu.memory_space<hbm>> -> memref<128x256xf32, #tpu.memory_space<hbm>>
    %dma_start3A_71 = arith.constant 0 : i32
    %dma_start3A_72 = tpu.memref_slice %arg4[%add3A_68, %dma_start3A_71] : memref<16384x256xf32, #tpu.memory_space<hbm>> -> memref<128x256xf32, #tpu.memory_space<hbm>>
    tpu.enqueue_dma source(%arg7 : memref<128x256xf32, #tpu.memory_space<vmem>>) target(%dma_start3A_72 : memref<128x256xf32, #tpu.memory_space<hbm>>) target_semaphore(%arg11 : memref<!tpu.dma_semaphore, #tpu.memory_space<semaphore_mem>>)
    %dma_wait3A_73 = arith.constant 0 : i32
    %dma_wait3A_74 = tpu.memref_slice %arg4[%add3A_57, %dma_wait3A_73] : memref<16384x256xf32, #tpu.memory_space<hbm>> -> memref<128x256xf32, #tpu.memory_space<hbm>>
    %dma_wait3A_75 = arith.constant 0 : i32
    %dma_wait3A_76 = tpu.memref_slice %arg4[%add3A_57, %dma_wait3A_75] : memref<16384x256xf32, #tpu.memory_space<hbm>> -> memref<128x256xf32, #tpu.memory_space<hbm>>
    tpu.wait_dma2 semaphore(%arg10 : memref<!tpu.dma_semaphore, #tpu.memory_space<semaphore_mem>>) src(%arg6 : memref<128x256xf32, #tpu.memory_space<vmem>>) dst(%dma_wait3A_76 : memref<128x256xf32, #tpu.memory_space<hbm>>)
    %dma_wait3A_77 = arith.constant 0 : i32
    %dma_wait3A_78 = tpu.memref_slice %arg4[%add3A_68, %dma_wait3A_77] : memref<16384x256xf32, #tpu.memory_space<hbm>> -> memref<128x256xf32, #tpu.memory_space<hbm>>
    %dma_wait3A_79 = arith.constant 0 : i32
    %dma_wait3A_80 = tpu.memref_slice %arg4[%add3A_68, %dma_wait3A_79] : memref<16384x256xf32, #tpu.memory_space<hbm>> -> memref<128x256xf32, #tpu.memory_space<hbm>>
    tpu.wait_dma2 semaphore(%arg11 : memref<!tpu.dma_semaphore, #tpu.memory_space<semaphore_mem>>) src(%arg7 : memref<128x256xf32, #tpu.memory_space<vmem>>) dst(%dma_wait3A_80 : memref<128x256xf32, #tpu.memory_space<hbm>>)
    return
  }
}

module attributes {stable_mosaic.version = 14 : i64} {
  func.func @_tc_body(%arg0: i32, %arg1: memref<16xi32, #tpu.memory_space<smem>>, %arg2: memref<16xf32, #tpu.memory_space<vmem>>, %arg3: memref<16xf32, #tpu.memory_space<vmem>>, %arg4: memref<4x256x256xf32, #tpu.memory_space<vmem>>, %arg5: memref<1x256x4xi32, #tpu.memory_space<vmem>>, %arg6: memref<1x2x256x256xf32, #tpu.memory_space<vmem>>, %arg7: memref<1x2x256x256xi32, #tpu.memory_space<vmem>>, %arg8: memref<1x2x256x256xf32, #tpu.memory_space<vmem>>, %arg9: memref<3x256x256xbf16, #tpu.memory_space<vmem>>, %arg10: memref<3x256x256xbf16, #tpu.memory_space<vmem>>, %arg11: memref<3x256xf32, #tpu.memory_space<vmem>>, %arg12: memref<3x256x256xbf16, #tpu.memory_space<vmem>>, %arg13: memref<3x256x256xbf16, #tpu.memory_space<vmem>>, %arg14: memref<3x256xf32, #tpu.memory_space<vmem>>, %arg15: memref<256x256xbf16, #tpu.memory_space<vmem>>, %arg16: memref<256x256xbf16, #tpu.memory_space<vmem>>, %arg17: memref<1x256xf32, #tpu.memory_space<vmem>>, %arg18: memref<1x256x256xf32, #tpu.memory_space<vmem>>, %arg19: memref<1x1x256xf32, #tpu.memory_space<vmem>>) attributes {dimension_semantics = [#tpu.dimension_semantics<arbitrary>], iteration_bounds = array<i64: 16>, scalar_prefetch = 0 : i64, scratch_operands = 0 : i64, tpu.core_type = #tpu.core_type<tc>, window_params = [{transform_indices = @transform_0, window_bounds = array<i64: 16>}, {pipeline_mode = #tpu.pipeline_mode<synchronous>, transform_indices = @transform_1, window_bounds = array<i64: 16>}, {pipeline_mode = #tpu.pipeline_mode<synchronous>, transform_indices = @transform_2, window_bounds = array<i64: 16>}, {transform_indices = @transform_3, window_bounds = array<i64: 4, 256, 256>}, {transform_indices = @transform_4, window_bounds = array<i64: 1, 256, 4>}, {transform_indices = @transform_5, window_bounds = array<i64: 1, 2, 256, 256>}, {transform_indices = @transform_6, window_bounds = array<i64: 1, 2, 256, 256>}, {transform_indices = @transform_7, window_bounds = array<i64: 1, 2, 256, 256>}, {pipeline_mode = #tpu.pipeline_mode<synchronous>, transform_indices = @transform_8, window_bounds = array<i64: 3, 256, 256>}, {pipeline_mode = #tpu.pipeline_mode<synchronous>, transform_indices = @transform_9, window_bounds = array<i64: 3, 256, 256>}, {pipeline_mode = #tpu.pipeline_mode<synchronous>, transform_indices = @transform_10, window_bounds = array<i64: 3, 256>}, {pipeline_mode = #tpu.pipeline_mode<synchronous>, transform_indices = @transform_11, window_bounds = array<i64: 3, 256, 256>}, {pipeline_mode = #tpu.pipeline_mode<synchronous>, transform_indices = @transform_12, window_bounds = array<i64: 3, 256, 256>}, {pipeline_mode = #tpu.pipeline_mode<synchronous>, transform_indices = @transform_13, window_bounds = array<i64: 3, 256>}, {pipeline_mode = #tpu.pipeline_mode<synchronous>, transform_indices = @transform_14, window_bounds = array<i64: 256, 256>}, {pipeline_mode = #tpu.pipeline_mode<synchronous>, transform_indices = @transform_15, window_bounds = array<i64: 256, 256>}, {pipeline_mode = #tpu.pipeline_mode<synchronous>, transform_indices = @transform_16, window_bounds = array<i64: 1, 256>}, {transform_indices = @transform_17, window_bounds = array<i64: 1, 256, 256>}, {transform_indices = @transform_18, window_bounds = array<i64: 1, 1, 256>}]} {
    %get3A = arith.constant 0 : index
    %get3A_0 = arith.constant 0 : index
    %get3A_1 = arith.constant 0 : index
    %get3A_2 = vector.load %arg4[%get3A, %get3A_0, %get3A_1] : memref<4x256x256xf32, #tpu.memory_space<vmem>>, vector<4x256x256xf32>
    %get3A_3 = arith.constant 0 : index
    %get3A_4 = arith.constant 0 : index
    %get3A_5 = arith.constant 0 : index
    %get3A_6 = vector.load %arg5[%get3A_3, %get3A_4, %get3A_5] : memref<1x256x4xi32, #tpu.memory_space<vmem>>, vector<1x256x4xi32>
    %get3A_7 = vector.shape_cast %get3A_6 : vector<1x256x4xi32> to vector<256x4xi32>
    %broadcast_in_dim3A = arith.constant 0.000000e+00 : f32
    %broadcast_in_dim3A_8 = vector.broadcast %broadcast_in_dim3A : f32 to vector<256x256xf32>
    %slice3A = vector.extract_strided_slice %get3A_7 {offsets = [0, 0], sizes = [256, 1], strides = [1, 1]} : vector<256x4xi32> to vector<256x1xi32>
    %ne3A = arith.constant 0 : i32
    %ne3A_9 = vector.broadcast %ne3A : i32 to vector<256x1xi32>
    %ne3A_10 = arith.cmpi ne, %slice3A, %ne3A_9 : vector<256x1xi32>
    %convert_element_type3A = arith.extui %ne3A_10 : vector<256x1xi1> to vector<256x1xi32>
    %convert_element_type3A_11 = arith.sitofp %convert_element_type3A : vector<256x1xi32> to vector<256x1xf32>
    %slice3A_12 = vector.extract_strided_slice %get3A_2 {offsets = [0, 0, 0], sizes = [1, 256, 256], strides = [1, 1, 1]} : vector<4x256x256xf32> to vector<1x256x256xf32>
    %squeeze3A = vector.shape_cast %slice3A_12 : vector<1x256x256xf32> to vector<256x256xf32>
    %mul3A = vector.broadcast %convert_element_type3A_11 : vector<256x1xf32> to vector<256x256xf32>
    %mul3A_13 = arith.mulf %squeeze3A, %mul3A : vector<256x256xf32>
    %add3A = arith.addf %broadcast_in_dim3A_8, %mul3A_13 : vector<256x256xf32>
    %slice3A_14 = vector.extract_strided_slice %get3A_7 {offsets = [0, 1], sizes = [256, 1], strides = [1, 1]} : vector<256x4xi32> to vector<256x1xi32>
    %ne3A_15 = arith.constant 0 : i32
    %ne3A_16 = vector.broadcast %ne3A_15 : i32 to vector<256x1xi32>
    %ne3A_17 = arith.cmpi ne, %slice3A_14, %ne3A_16 : vector<256x1xi32>
    %convert_element_type3A_18 = arith.extui %ne3A_17 : vector<256x1xi1> to vector<256x1xi32>
    %convert_element_type3A_19 = arith.sitofp %convert_element_type3A_18 : vector<256x1xi32> to vector<256x1xf32>
    %slice3A_20 = vector.extract_strided_slice %get3A_2 {offsets = [1, 0, 0], sizes = [1, 256, 256], strides = [1, 1, 1]} : vector<4x256x256xf32> to vector<1x256x256xf32>
    %squeeze3A_21 = vector.shape_cast %slice3A_20 : vector<1x256x256xf32> to vector<256x256xf32>
    %mul3A_22 = vector.broadcast %convert_element_type3A_19 : vector<256x1xf32> to vector<256x256xf32>
    %mul3A_23 = arith.mulf %squeeze3A_21, %mul3A_22 : vector<256x256xf32>
    %add3A_24 = arith.addf %add3A, %mul3A_23 : vector<256x256xf32>
    %slice3A_25 = vector.extract_strided_slice %get3A_7 {offsets = [0, 2], sizes = [256, 1], strides = [1, 1]} : vector<256x4xi32> to vector<256x1xi32>
    %ne3A_26 = arith.constant 0 : i32
    %ne3A_27 = vector.broadcast %ne3A_26 : i32 to vector<256x1xi32>
    %ne3A_28 = arith.cmpi ne, %slice3A_25, %ne3A_27 : vector<256x1xi32>
    %convert_element_type3A_29 = arith.extui %ne3A_28 : vector<256x1xi1> to vector<256x1xi32>
    %convert_element_type3A_30 = arith.sitofp %convert_element_type3A_29 : vector<256x1xi32> to vector<256x1xf32>
    %slice3A_31 = vector.extract_strided_slice %get3A_2 {offsets = [2, 0, 0], sizes = [1, 256, 256], strides = [1, 1, 1]} : vector<4x256x256xf32> to vector<1x256x256xf32>
    %squeeze3A_32 = vector.shape_cast %slice3A_31 : vector<1x256x256xf32> to vector<256x256xf32>
    %mul3A_33 = vector.broadcast %convert_element_type3A_30 : vector<256x1xf32> to vector<256x256xf32>
    %mul3A_34 = arith.mulf %squeeze3A_32, %mul3A_33 : vector<256x256xf32>
    %add3A_35 = arith.addf %add3A_24, %mul3A_34 : vector<256x256xf32>
    %slice3A_36 = vector.extract_strided_slice %get3A_7 {offsets = [0, 3], sizes = [256, 1], strides = [1, 1]} : vector<256x4xi32> to vector<256x1xi32>
    %ne3A_37 = arith.constant 0 : i32
    %ne3A_38 = vector.broadcast %ne3A_37 : i32 to vector<256x1xi32>
    %ne3A_39 = arith.cmpi ne, %slice3A_36, %ne3A_38 : vector<256x1xi32>
    %convert_element_type3A_40 = arith.extui %ne3A_39 : vector<256x1xi1> to vector<256x1xi32>
    %convert_element_type3A_41 = arith.sitofp %convert_element_type3A_40 : vector<256x1xi32> to vector<256x1xf32>
    %slice3A_42 = vector.extract_strided_slice %get3A_2 {offsets = [3, 0, 0], sizes = [1, 256, 256], strides = [1, 1, 1]} : vector<4x256x256xf32> to vector<1x256x256xf32>
    %squeeze3A_43 = vector.shape_cast %slice3A_42 : vector<1x256x256xf32> to vector<256x256xf32>
    %mul3A_44 = vector.broadcast %convert_element_type3A_41 : vector<256x1xf32> to vector<256x256xf32>
    %mul3A_45 = arith.mulf %squeeze3A_43, %mul3A_44 : vector<256x256xf32>
    %add3A_46 = arith.addf %add3A_35, %mul3A_45 : vector<256x256xf32>
    %get3A_47 = arith.index_cast %arg0 : i32 to index
    %get3A_48 = memref.load %arg1[%get3A_47] : memref<16xi32, #tpu.memory_space<smem>>
    %iota3A = tpu.iota {dimensions = array<i32: 0>} : vector<256x1xi32>
    %lt3A = vector.broadcast %get3A_48 : i32 to vector<256x1xi32>
    %lt3A_49 = arith.cmpi slt, %iota3A, %lt3A : vector<256x1xi32>
    %convert_element_type3A_50 = arith.extui %lt3A_49 : vector<256x1xi1> to vector<256x1xi32>
    %convert_element_type3A_51 = arith.sitofp %convert_element_type3A_50 : vector<256x1xi32> to vector<256x1xf32>
    %get3A_52 = arith.constant 0 : index
    %get3A_53 = arith.constant 0 : index
    %get3A_54 = arith.constant 0 : index
    %get3A_55 = arith.constant 0 : index
    %get3A_56 = vector.load %arg6[%get3A_52, %get3A_53, %get3A_54, %get3A_55] : memref<1x2x256x256xf32, #tpu.memory_space<vmem>>, vector<1x1x256x256xf32>
    %get3A_57 = vector.shape_cast %get3A_56 : vector<1x1x256x256xf32> to vector<256x256xf32>
    %get3A_58 = arith.constant 0 : index
    %get3A_59 = arith.constant 0 : index
    %get3A_60 = arith.constant 0 : index
    %get3A_61 = arith.constant 0 : index
    %get3A_62 = vector.load %arg8[%get3A_58, %get3A_59, %get3A_60, %get3A_61] : memref<1x2x256x256xf32, #tpu.memory_space<vmem>>, vector<1x1x256x256xf32>
    %get3A_63 = vector.shape_cast %get3A_62 : vector<1x1x256x256xf32> to vector<256x256xf32>
    %mul3A_64 = arith.mulf %get3A_57, %get3A_63 : vector<256x256xf32>
    %mul3A_65 = arith.constant 3.906250e-03 : f32
    %mul3A_66 = vector.broadcast %mul3A_65 : f32 to vector<256x256xf32>
    %mul3A_67 = arith.mulf %mul3A_64, %mul3A_66 : vector<256x256xf32>
    %get3A_68 = arith.constant 0 : index
    %get3A_69 = arith.constant 0 : index
    %get3A_70 = arith.constant 0 : index
    %get3A_71 = arith.constant 0 : index
    %get3A_72 = vector.load %arg7[%get3A_68, %get3A_69, %get3A_70, %get3A_71] : memref<1x2x256x256xi32, #tpu.memory_space<vmem>>, vector<1x1x256x256xi32>
    %get3A_73 = vector.shape_cast %get3A_72 : vector<1x1x256x256xi32> to vector<256x256xi32>
    %get3A_74 = arith.constant 0 : index
    %get3A_75 = vector.load %arg2[%get3A_74] : memref<16xf32, #tpu.memory_space<vmem>>, vector<16xf32>
    %broadcast_in_dim3A_76 = vector.shape_cast %get3A_75 : vector<16xf32> to vector<1x16xf32>
    %broadcast_in_dim3A_77 = vector.broadcast %broadcast_in_dim3A_76 : vector<1x16xf32> to vector<256x16xf32>
    %lt3A_78 = arith.constant 0 : i32
    %lt3A_79 = vector.broadcast %lt3A_78 : i32 to vector<256x256xi32>
    %lt3A_80 = arith.cmpi slt, %get3A_73, %lt3A_79 : vector<256x256xi32>
    %add3A_81 = arith.constant 16 : i32
    %add3A_82 = vector.broadcast %add3A_81 : i32 to vector<256x256xi32>
    %add3A_83 = arith.addi %get3A_73, %add3A_82 : vector<256x256xi32>
    %select_n3A = arith.select %lt3A_80, %add3A_83, %get3A_73 : vector<256x256xi1>, vector<256x256xi32>
    %reshape3A = vector.shape_cast %select_n3A : vector<256x256xi32> to vector<256x256x1xi32>
    %gather3A = vector.shape_cast %reshape3A : vector<256x256x1xi32> to vector<256x256xi32>
    %gather3A_84 = tpu.dynamic_gather %broadcast_in_dim3A_77[%gather3A] in [1] : vector<256x16xf32>, vector<256x256xi32> -> vector<256x256xf32>
    %get3A_85 = arith.constant 0 : index
    %get3A_86 = vector.load %arg3[%get3A_85] : memref<16xf32, #tpu.memory_space<vmem>>, vector<16xf32>
    %broadcast_in_dim3A_87 = vector.shape_cast %get3A_86 : vector<16xf32> to vector<1x16xf32>
    %broadcast_in_dim3A_88 = vector.broadcast %broadcast_in_dim3A_87 : vector<1x16xf32> to vector<256x16xf32>
    %lt3A_89 = arith.constant 0 : i32
    %lt3A_90 = vector.broadcast %lt3A_89 : i32 to vector<256x256xi32>
    %lt3A_91 = arith.cmpi slt, %get3A_73, %lt3A_90 : vector<256x256xi32>
    %add3A_92 = arith.constant 16 : i32
    %add3A_93 = vector.broadcast %add3A_92 : i32 to vector<256x256xi32>
    %add3A_94 = arith.addi %get3A_73, %add3A_93 : vector<256x256xi32>
    %select_n3A_95 = arith.select %lt3A_91, %add3A_94, %get3A_73 : vector<256x256xi1>, vector<256x256xi32>
    %reshape3A_96 = vector.shape_cast %select_n3A_95 : vector<256x256xi32> to vector<256x256x1xi32>
    %gather3A_97 = vector.shape_cast %reshape3A_96 : vector<256x256x1xi32> to vector<256x256xi32>
    %gather3A_98 = tpu.dynamic_gather %broadcast_in_dim3A_88[%gather3A_97] in [1] : vector<256x16xf32>, vector<256x256xi32> -> vector<256x256xf32>
    %mul3A_99 = arith.mulf %mul3A_67, %gather3A_84 : vector<256x256xf32>
    %convert_element_type3A_100 = arith.truncf %mul3A_99 : vector<256x256xf32> to vector<256x256xbf16>
    %mul3A_101 = arith.mulf %mul3A_67, %gather3A_98 : vector<256x256xf32>
    %convert_element_type3A_102 = arith.truncf %mul3A_101 : vector<256x256xf32> to vector<256x256xbf16>
    %convert_element_type3A_103 = arith.truncf %add3A_46 : vector<256x256xf32> to vector<256x256xbf16>
    %dot_general3A = arith.constant dense<0.000000e+00> : vector<256x256xf32>
    %dot_general3A_104 = tpu.matmul %convert_element_type3A_100, %convert_element_type3A_103, %dot_general3A {dimension_numbers = #tpu.dot_dimension_numbers<[1], [0], [0], [1], [0, 0, 1, 1], [], []>, transpose_lhs_hint = false} : vector<256x256xbf16>, vector<256x256xbf16>, vector<256x256xf32> -> vector<256x256xf32>
    %convert_element_type3A_105 = arith.truncf %dot_general3A_104 : vector<256x256xf32> to vector<256x256xbf16>
    %get3A_106 = arith.constant 0 : index
    %get3A_107 = arith.constant 0 : index
    %get3A_108 = arith.constant 0 : index
    %get3A_109 = vector.load %arg9[%get3A_106, %get3A_107, %get3A_108] : memref<3x256x256xbf16, #tpu.memory_space<vmem>>, vector<1x256x256xbf16>
    %get3A_110 = vector.shape_cast %get3A_109 : vector<1x256x256xbf16> to vector<256x256xbf16>
    %dot_general3A_111 = arith.constant dense<0.000000e+00> : vector<256x256xf32>
    %dot_general3A_112 = tpu.matmul %convert_element_type3A_105, %get3A_110, %dot_general3A_111 {dimension_numbers = #tpu.dot_dimension_numbers<[1], [0], [0], [1], [0, 0, 1, 1], [], []>, transpose_lhs_hint = false} : vector<256x256xbf16>, vector<256x256xbf16>, vector<256x256xf32> -> vector<256x256xf32>
    %get3A_113 = arith.constant 0 : index
    %get3A_114 = arith.constant 0 : index
    %get3A_115 = arith.constant 0 : index
    %get3A_116 = vector.load %arg10[%get3A_113, %get3A_114, %get3A_115] : memref<3x256x256xbf16, #tpu.memory_space<vmem>>, vector<1x256x256xbf16>
    %get3A_117 = vector.shape_cast %get3A_116 : vector<1x256x256xbf16> to vector<256x256xbf16>
    %dot_general3A_118 = arith.constant dense<0.000000e+00> : vector<256x256xf32>
    %dot_general3A_119 = tpu.matmul %convert_element_type3A_103, %get3A_117, %dot_general3A_118 {dimension_numbers = #tpu.dot_dimension_numbers<[1], [0], [0], [1], [0, 0, 1, 1], [], []>, transpose_lhs_hint = false} : vector<256x256xbf16>, vector<256x256xbf16>, vector<256x256xf32> -> vector<256x256xf32>
    %add3A_120 = arith.addf %dot_general3A_112, %dot_general3A_119 : vector<256x256xf32>
    %get3A_121 = arith.constant 0 : index
    %get3A_122 = arith.constant 0 : index
    %get3A_123 = vector.load %arg11[%get3A_121, %get3A_122] : memref<3x256xf32, #tpu.memory_space<vmem>>, vector<1x256xf32>
    %get3A_124 = vector.shape_cast %get3A_123 : vector<1x256xf32> to vector<256xf32>
    %broadcast_in_dim3A_125 = vector.shape_cast %get3A_124 : vector<256xf32> to vector<1x256xf32>
    %add3A_126 = vector.broadcast %broadcast_in_dim3A_125 : vector<1x256xf32> to vector<256x256xf32>
    %add3A_127 = arith.addf %add3A_120, %add3A_126 : vector<256x256xf32>
    %logistic3A = arith.negf %add3A_127 : vector<256x256xf32>
    %logistic3A_128 = math.exp %logistic3A : vector<256x256xf32>
    %logistic3A_129 = arith.constant 1.000000e+00 : f32
    %logistic3A_130 = vector.broadcast %logistic3A_129 : f32 to vector<256x256xf32>
    %logistic3A_131 = arith.addf %logistic3A_130, %logistic3A_128 : vector<256x256xf32>
    %logistic3A_132 = arith.divf %logistic3A_130, %logistic3A_131 : vector<256x256xf32>
    %get3A_133 = arith.constant 1 : index
    %get3A_134 = arith.constant 0 : index
    %get3A_135 = arith.constant 0 : index
    %get3A_136 = vector.load %arg9[%get3A_133, %get3A_134, %get3A_135] : memref<3x256x256xbf16, #tpu.memory_space<vmem>>, vector<1x256x256xbf16>
    %get3A_137 = vector.shape_cast %get3A_136 : vector<1x256x256xbf16> to vector<256x256xbf16>
    %dot_general3A_138 = arith.constant dense<0.000000e+00> : vector<256x256xf32>
    %dot_general3A_139 = tpu.matmul %convert_element_type3A_105, %get3A_137, %dot_general3A_138 {dimension_numbers = #tpu.dot_dimension_numbers<[1], [0], [0], [1], [0, 0, 1, 1], [], []>, transpose_lhs_hint = false} : vector<256x256xbf16>, vector<256x256xbf16>, vector<256x256xf32> -> vector<256x256xf32>
    %get3A_140 = arith.constant 1 : index
    %get3A_141 = arith.constant 0 : index
    %get3A_142 = arith.constant 0 : index
    %get3A_143 = vector.load %arg10[%get3A_140, %get3A_141, %get3A_142] : memref<3x256x256xbf16, #tpu.memory_space<vmem>>, vector<1x256x256xbf16>
    %get3A_144 = vector.shape_cast %get3A_143 : vector<1x256x256xbf16> to vector<256x256xbf16>
    %dot_general3A_145 = arith.constant dense<0.000000e+00> : vector<256x256xf32>
    %dot_general3A_146 = tpu.matmul %convert_element_type3A_103, %get3A_144, %dot_general3A_145 {dimension_numbers = #tpu.dot_dimension_numbers<[1], [0], [0], [1], [0, 0, 1, 1], [], []>, transpose_lhs_hint = false} : vector<256x256xbf16>, vector<256x256xbf16>, vector<256x256xf32> -> vector<256x256xf32>
    %add3A_147 = arith.addf %dot_general3A_139, %dot_general3A_146 : vector<256x256xf32>
    %get3A_148 = arith.constant 1 : index
    %get3A_149 = arith.constant 0 : index
    %get3A_150 = vector.load %arg11[%get3A_148, %get3A_149] : memref<3x256xf32, #tpu.memory_space<vmem>>, vector<1x256xf32>
    %get3A_151 = vector.shape_cast %get3A_150 : vector<1x256xf32> to vector<256xf32>
    %broadcast_in_dim3A_152 = vector.shape_cast %get3A_151 : vector<256xf32> to vector<1x256xf32>
    %add3A_153 = vector.broadcast %broadcast_in_dim3A_152 : vector<1x256xf32> to vector<256x256xf32>
    %add3A_154 = arith.addf %add3A_147, %add3A_153 : vector<256x256xf32>
    %logistic3A_155 = arith.negf %add3A_154 : vector<256x256xf32>
    %logistic3A_156 = math.exp %logistic3A_155 : vector<256x256xf32>
    %logistic3A_157 = arith.constant 1.000000e+00 : f32
    %logistic3A_158 = vector.broadcast %logistic3A_157 : f32 to vector<256x256xf32>
    %logistic3A_159 = arith.addf %logistic3A_158, %logistic3A_156 : vector<256x256xf32>
    %logistic3A_160 = arith.divf %logistic3A_158, %logistic3A_159 : vector<256x256xf32>
    %get3A_161 = arith.constant 2 : index
    %get3A_162 = arith.constant 0 : index
    %get3A_163 = arith.constant 0 : index
    %get3A_164 = vector.load %arg9[%get3A_161, %get3A_162, %get3A_163] : memref<3x256x256xbf16, #tpu.memory_space<vmem>>, vector<1x256x256xbf16>
    %get3A_165 = vector.shape_cast %get3A_164 : vector<1x256x256xbf16> to vector<256x256xbf16>
    %dot_general3A_166 = arith.constant dense<0.000000e+00> : vector<256x256xf32>
    %dot_general3A_167 = tpu.matmul %convert_element_type3A_105, %get3A_165, %dot_general3A_166 {dimension_numbers = #tpu.dot_dimension_numbers<[1], [0], [0], [1], [0, 0, 1, 1], [], []>, transpose_lhs_hint = false} : vector<256x256xbf16>, vector<256x256xbf16>, vector<256x256xf32> -> vector<256x256xf32>
    %get3A_168 = arith.constant 2 : index
    %get3A_169 = arith.constant 0 : index
    %get3A_170 = arith.constant 0 : index
    %get3A_171 = vector.load %arg10[%get3A_168, %get3A_169, %get3A_170] : memref<3x256x256xbf16, #tpu.memory_space<vmem>>, vector<1x256x256xbf16>
    %get3A_172 = vector.shape_cast %get3A_171 : vector<1x256x256xbf16> to vector<256x256xbf16>
    %dot_general3A_173 = arith.constant dense<0.000000e+00> : vector<256x256xf32>
    %dot_general3A_174 = tpu.matmul %convert_element_type3A_103, %get3A_172, %dot_general3A_173 {dimension_numbers = #tpu.dot_dimension_numbers<[1], [0], [0], [1], [0, 0, 1, 1], [], []>, transpose_lhs_hint = false} : vector<256x256xbf16>, vector<256x256xbf16>, vector<256x256xf32> -> vector<256x256xf32>
    %mul3A_175 = arith.mulf %logistic3A_160, %dot_general3A_174 : vector<256x256xf32>
    %add3A_176 = arith.addf %dot_general3A_167, %mul3A_175 : vector<256x256xf32>
    %get3A_177 = arith.constant 2 : index
    %get3A_178 = arith.constant 0 : index
    %get3A_179 = vector.load %arg11[%get3A_177, %get3A_178] : memref<3x256xf32, #tpu.memory_space<vmem>>, vector<1x256xf32>
    %get3A_180 = vector.shape_cast %get3A_179 : vector<1x256xf32> to vector<256xf32>
    %broadcast_in_dim3A_181 = vector.shape_cast %get3A_180 : vector<256xf32> to vector<1x256xf32>
    %add3A_182 = vector.broadcast %broadcast_in_dim3A_181 : vector<1x256xf32> to vector<256x256xf32>
    %add3A_183 = arith.addf %add3A_176, %add3A_182 : vector<256x256xf32>
    %tanh3A = math.tanh %add3A_183 : vector<256x256xf32>
    %sub3A = arith.constant 1.000000e+00 : f32
    %sub3A_184 = vector.broadcast %sub3A : f32 to vector<256x256xf32>
    %sub3A_185 = arith.subf %sub3A_184, %logistic3A_132 : vector<256x256xf32>
    %mul3A_186 = arith.mulf %sub3A_185, %add3A_46 : vector<256x256xf32>
    %mul3A_187 = arith.mulf %logistic3A_132, %tanh3A : vector<256x256xf32>
    %add3A_188 = arith.addf %mul3A_186, %mul3A_187 : vector<256x256xf32>
    %mul3A_189 = vector.broadcast %convert_element_type3A_51 : vector<256x1xf32> to vector<256x256xf32>
    %mul3A_190 = arith.mulf %add3A_188, %mul3A_189 : vector<256x256xf32>
    %convert_element_type3A_191 = arith.truncf %add3A_46 : vector<256x256xf32> to vector<256x256xbf16>
    %dot_general3A_192 = arith.constant dense<0.000000e+00> : vector<256x256xf32>
    %dot_general3A_193 = tpu.matmul %convert_element_type3A_102, %convert_element_type3A_191, %dot_general3A_192 {dimension_numbers = #tpu.dot_dimension_numbers<[0], [0], [1], [1], [0, 1, 1, 1], [], []>, transpose_lhs_hint = false} : vector<256x256xbf16>, vector<256x256xbf16>, vector<256x256xf32> -> vector<256x256xf32>
    %convert_element_type3A_194 = arith.truncf %dot_general3A_193 : vector<256x256xf32> to vector<256x256xbf16>
    %get3A_195 = arith.constant 0 : index
    %get3A_196 = arith.constant 0 : index
    %get3A_197 = arith.constant 0 : index
    %get3A_198 = vector.load %arg12[%get3A_195, %get3A_196, %get3A_197] : memref<3x256x256xbf16, #tpu.memory_space<vmem>>, vector<1x256x256xbf16>
    %get3A_199 = vector.shape_cast %get3A_198 : vector<1x256x256xbf16> to vector<256x256xbf16>
    %dot_general3A_200 = arith.constant dense<0.000000e+00> : vector<256x256xf32>
    %dot_general3A_201 = tpu.matmul %convert_element_type3A_194, %get3A_199, %dot_general3A_200 {dimension_numbers = #tpu.dot_dimension_numbers<[1], [0], [0], [1], [0, 0, 1, 1], [], []>, transpose_lhs_hint = false} : vector<256x256xbf16>, vector<256x256xbf16>, vector<256x256xf32> -> vector<256x256xf32>
    %get3A_202 = arith.constant 0 : index
    %get3A_203 = arith.constant 0 : index
    %get3A_204 = arith.constant 0 : index
    %get3A_205 = vector.load %arg13[%get3A_202, %get3A_203, %get3A_204] : memref<3x256x256xbf16, #tpu.memory_space<vmem>>, vector<1x256x256xbf16>
    %get3A_206 = vector.shape_cast %get3A_205 : vector<1x256x256xbf16> to vector<256x256xbf16>
    %dot_general3A_207 = arith.constant dense<0.000000e+00> : vector<256x256xf32>
    %dot_general3A_208 = tpu.matmul %convert_element_type3A_191, %get3A_206, %dot_general3A_207 {dimension_numbers = #tpu.dot_dimension_numbers<[1], [0], [0], [1], [0, 0, 1, 1], [], []>, transpose_lhs_hint = false} : vector<256x256xbf16>, vector<256x256xbf16>, vector<256x256xf32> -> vector<256x256xf32>
    %add3A_209 = arith.addf %dot_general3A_201, %dot_general3A_208 : vector<256x256xf32>
    %get3A_210 = arith.constant 0 : index
    %get3A_211 = arith.constant 0 : index
    %get3A_212 = vector.load %arg14[%get3A_210, %get3A_211] : memref<3x256xf32, #tpu.memory_space<vmem>>, vector<1x256xf32>
    %get3A_213 = vector.shape_cast %get3A_212 : vector<1x256xf32> to vector<256xf32>
    %broadcast_in_dim3A_214 = vector.shape_cast %get3A_213 : vector<256xf32> to vector<1x256xf32>
    %add3A_215 = vector.broadcast %broadcast_in_dim3A_214 : vector<1x256xf32> to vector<256x256xf32>
    %add3A_216 = arith.addf %add3A_209, %add3A_215 : vector<256x256xf32>
    %logistic3A_217 = arith.negf %add3A_216 : vector<256x256xf32>
    %logistic3A_218 = math.exp %logistic3A_217 : vector<256x256xf32>
    %logistic3A_219 = arith.constant 1.000000e+00 : f32
    %logistic3A_220 = vector.broadcast %logistic3A_219 : f32 to vector<256x256xf32>
    %logistic3A_221 = arith.addf %logistic3A_220, %logistic3A_218 : vector<256x256xf32>
    %logistic3A_222 = arith.divf %logistic3A_220, %logistic3A_221 : vector<256x256xf32>
    %get3A_223 = arith.constant 1 : index
    %get3A_224 = arith.constant 0 : index
    %get3A_225 = arith.constant 0 : index
    %get3A_226 = vector.load %arg12[%get3A_223, %get3A_224, %get3A_225] : memref<3x256x256xbf16, #tpu.memory_space<vmem>>, vector<1x256x256xbf16>
    %get3A_227 = vector.shape_cast %get3A_226 : vector<1x256x256xbf16> to vector<256x256xbf16>
    %dot_general3A_228 = arith.constant dense<0.000000e+00> : vector<256x256xf32>
    %dot_general3A_229 = tpu.matmul %convert_element_type3A_194, %get3A_227, %dot_general3A_228 {dimension_numbers = #tpu.dot_dimension_numbers<[1], [0], [0], [1], [0, 0, 1, 1], [], []>, transpose_lhs_hint = false} : vector<256x256xbf16>, vector<256x256xbf16>, vector<256x256xf32> -> vector<256x256xf32>
    %get3A_230 = arith.constant 1 : index
    %get3A_231 = arith.constant 0 : index
    %get3A_232 = arith.constant 0 : index
    %get3A_233 = vector.load %arg13[%get3A_230, %get3A_231, %get3A_232] : memref<3x256x256xbf16, #tpu.memory_space<vmem>>, vector<1x256x256xbf16>
    %get3A_234 = vector.shape_cast %get3A_233 : vector<1x256x256xbf16> to vector<256x256xbf16>
    %dot_general3A_235 = arith.constant dense<0.000000e+00> : vector<256x256xf32>
    %dot_general3A_236 = tpu.matmul %convert_element_type3A_191, %get3A_234, %dot_general3A_235 {dimension_numbers = #tpu.dot_dimension_numbers<[1], [0], [0], [1], [0, 0, 1, 1], [], []>, transpose_lhs_hint = false} : vector<256x256xbf16>, vector<256x256xbf16>, vector<256x256xf32> -> vector<256x256xf32>
    %add3A_237 = arith.addf %dot_general3A_229, %dot_general3A_236 : vector<256x256xf32>
    %get3A_238 = arith.constant 1 : index
    %get3A_239 = arith.constant 0 : index
    %get3A_240 = vector.load %arg14[%get3A_238, %get3A_239] : memref<3x256xf32, #tpu.memory_space<vmem>>, vector<1x256xf32>
    %get3A_241 = vector.shape_cast %get3A_240 : vector<1x256xf32> to vector<256xf32>
    %broadcast_in_dim3A_242 = vector.shape_cast %get3A_241 : vector<256xf32> to vector<1x256xf32>
    %add3A_243 = vector.broadcast %broadcast_in_dim3A_242 : vector<1x256xf32> to vector<256x256xf32>
    %add3A_244 = arith.addf %add3A_237, %add3A_243 : vector<256x256xf32>
    %logistic3A_245 = arith.negf %add3A_244 : vector<256x256xf32>
    %logistic3A_246 = math.exp %logistic3A_245 : vector<256x256xf32>
    %logistic3A_247 = arith.constant 1.000000e+00 : f32
    %logistic3A_248 = vector.broadcast %logistic3A_247 : f32 to vector<256x256xf32>
    %logistic3A_249 = arith.addf %logistic3A_248, %logistic3A_246 : vector<256x256xf32>
    %logistic3A_250 = arith.divf %logistic3A_248, %logistic3A_249 : vector<256x256xf32>
    %get3A_251 = arith.constant 2 : index
    %get3A_252 = arith.constant 0 : index
    %get3A_253 = arith.constant 0 : index
    %get3A_254 = vector.load %arg12[%get3A_251, %get3A_252, %get3A_253] : memref<3x256x256xbf16, #tpu.memory_space<vmem>>, vector<1x256x256xbf16>
    %get3A_255 = vector.shape_cast %get3A_254 : vector<1x256x256xbf16> to vector<256x256xbf16>
    %dot_general3A_256 = arith.constant dense<0.000000e+00> : vector<256x256xf32>
    %dot_general3A_257 = tpu.matmul %convert_element_type3A_194, %get3A_255, %dot_general3A_256 {dimension_numbers = #tpu.dot_dimension_numbers<[1], [0], [0], [1], [0, 0, 1, 1], [], []>, transpose_lhs_hint = false} : vector<256x256xbf16>, vector<256x256xbf16>, vector<256x256xf32> -> vector<256x256xf32>
    %get3A_258 = arith.constant 2 : index
    %get3A_259 = arith.constant 0 : index
    %get3A_260 = arith.constant 0 : index
    %get3A_261 = vector.load %arg13[%get3A_258, %get3A_259, %get3A_260] : memref<3x256x256xbf16, #tpu.memory_space<vmem>>, vector<1x256x256xbf16>
    %get3A_262 = vector.shape_cast %get3A_261 : vector<1x256x256xbf16> to vector<256x256xbf16>
    %dot_general3A_263 = arith.constant dense<0.000000e+00> : vector<256x256xf32>
    %dot_general3A_264 = tpu.matmul %convert_element_type3A_191, %get3A_262, %dot_general3A_263 {dimension_numbers = #tpu.dot_dimension_numbers<[1], [0], [0], [1], [0, 0, 1, 1], [], []>, transpose_lhs_hint = false} : vector<256x256xbf16>, vector<256x256xbf16>, vector<256x256xf32> -> vector<256x256xf32>
    %mul3A_265 = arith.mulf %logistic3A_250, %dot_general3A_264 : vector<256x256xf32>
    %add3A_266 = arith.addf %dot_general3A_257, %mul3A_265 : vector<256x256xf32>
    %get3A_267 = arith.constant 2 : index
    %get3A_268 = arith.constant 0 : index
    %get3A_269 = vector.load %arg14[%get3A_267, %get3A_268] : memref<3x256xf32, #tpu.memory_space<vmem>>, vector<1x256xf32>
    %get3A_270 = vector.shape_cast %get3A_269 : vector<1x256xf32> to vector<256xf32>
    %broadcast_in_dim3A_271 = vector.shape_cast %get3A_270 : vector<256xf32> to vector<1x256xf32>
    %add3A_272 = vector.broadcast %broadcast_in_dim3A_271 : vector<1x256xf32> to vector<256x256xf32>
    %add3A_273 = arith.addf %add3A_266, %add3A_272 : vector<256x256xf32>
    %tanh3A_274 = math.tanh %add3A_273 : vector<256x256xf32>
    %sub3A_275 = arith.constant 1.000000e+00 : f32
    %sub3A_276 = vector.broadcast %sub3A_275 : f32 to vector<256x256xf32>
    %sub3A_277 = arith.subf %sub3A_276, %logistic3A_222 : vector<256x256xf32>
    %mul3A_278 = arith.mulf %sub3A_277, %add3A_46 : vector<256x256xf32>
    %mul3A_279 = arith.mulf %logistic3A_222, %tanh3A_274 : vector<256x256xf32>
    %add3A_280 = arith.addf %mul3A_278, %mul3A_279 : vector<256x256xf32>
    %mul3A_281 = vector.broadcast %convert_element_type3A_51 : vector<256x1xf32> to vector<256x256xf32>
    %mul3A_282 = arith.mulf %add3A_280, %mul3A_281 : vector<256x256xf32>
    %get3A_283 = arith.constant 0 : index
    %get3A_284 = arith.constant 1 : index
    %get3A_285 = arith.constant 0 : index
    %get3A_286 = arith.constant 0 : index
    %get3A_287 = vector.load %arg6[%get3A_283, %get3A_284, %get3A_285, %get3A_286] : memref<1x2x256x256xf32, #tpu.memory_space<vmem>>, vector<1x1x256x256xf32>
    %get3A_288 = vector.shape_cast %get3A_287 : vector<1x1x256x256xf32> to vector<256x256xf32>
    %get3A_289 = arith.constant 0 : index
    %get3A_290 = arith.constant 1 : index
    %get3A_291 = arith.constant 0 : index
    %get3A_292 = arith.constant 0 : index
    %get3A_293 = vector.load %arg8[%get3A_289, %get3A_290, %get3A_291, %get3A_292] : memref<1x2x256x256xf32, #tpu.memory_space<vmem>>, vector<1x1x256x256xf32>
    %get3A_294 = vector.shape_cast %get3A_293 : vector<1x1x256x256xf32> to vector<256x256xf32>
    %mul3A_295 = arith.mulf %get3A_288, %get3A_294 : vector<256x256xf32>
    %mul3A_296 = arith.constant 3.906250e-03 : f32
    %mul3A_297 = vector.broadcast %mul3A_296 : f32 to vector<256x256xf32>
    %mul3A_298 = arith.mulf %mul3A_295, %mul3A_297 : vector<256x256xf32>
    %get3A_299 = arith.constant 0 : index
    %get3A_300 = arith.constant 1 : index
    %get3A_301 = arith.constant 0 : index
    %get3A_302 = arith.constant 0 : index
    %get3A_303 = vector.load %arg7[%get3A_299, %get3A_300, %get3A_301, %get3A_302] : memref<1x2x256x256xi32, #tpu.memory_space<vmem>>, vector<1x1x256x256xi32>
    %get3A_304 = vector.shape_cast %get3A_303 : vector<1x1x256x256xi32> to vector<256x256xi32>
    %get3A_305 = arith.constant 0 : index
    %get3A_306 = vector.load %arg2[%get3A_305] : memref<16xf32, #tpu.memory_space<vmem>>, vector<16xf32>
    %broadcast_in_dim3A_307 = vector.shape_cast %get3A_306 : vector<16xf32> to vector<1x16xf32>
    %broadcast_in_dim3A_308 = vector.broadcast %broadcast_in_dim3A_307 : vector<1x16xf32> to vector<256x16xf32>
    %lt3A_309 = arith.constant 0 : i32
    %lt3A_310 = vector.broadcast %lt3A_309 : i32 to vector<256x256xi32>
    %lt3A_311 = arith.cmpi slt, %get3A_304, %lt3A_310 : vector<256x256xi32>
    %add3A_312 = arith.constant 16 : i32
    %add3A_313 = vector.broadcast %add3A_312 : i32 to vector<256x256xi32>
    %add3A_314 = arith.addi %get3A_304, %add3A_313 : vector<256x256xi32>
    %select_n3A_315 = arith.select %lt3A_311, %add3A_314, %get3A_304 : vector<256x256xi1>, vector<256x256xi32>
    %reshape3A_316 = vector.shape_cast %select_n3A_315 : vector<256x256xi32> to vector<256x256x1xi32>
    %gather3A_317 = vector.shape_cast %reshape3A_316 : vector<256x256x1xi32> to vector<256x256xi32>
    %gather3A_318 = tpu.dynamic_gather %broadcast_in_dim3A_308[%gather3A_317] in [1] : vector<256x16xf32>, vector<256x256xi32> -> vector<256x256xf32>
    %get3A_319 = arith.constant 0 : index
    %get3A_320 = vector.load %arg3[%get3A_319] : memref<16xf32, #tpu.memory_space<vmem>>, vector<16xf32>
    %broadcast_in_dim3A_321 = vector.shape_cast %get3A_320 : vector<16xf32> to vector<1x16xf32>
    %broadcast_in_dim3A_322 = vector.broadcast %broadcast_in_dim3A_321 : vector<1x16xf32> to vector<256x16xf32>
    %lt3A_323 = arith.constant 0 : i32
    %lt3A_324 = vector.broadcast %lt3A_323 : i32 to vector<256x256xi32>
    %lt3A_325 = arith.cmpi slt, %get3A_304, %lt3A_324 : vector<256x256xi32>
    %add3A_326 = arith.constant 16 : i32
    %add3A_327 = vector.broadcast %add3A_326 : i32 to vector<256x256xi32>
    %add3A_328 = arith.addi %get3A_304, %add3A_327 : vector<256x256xi32>
    %select_n3A_329 = arith.select %lt3A_325, %add3A_328, %get3A_304 : vector<256x256xi1>, vector<256x256xi32>
    %reshape3A_330 = vector.shape_cast %select_n3A_329 : vector<256x256xi32> to vector<256x256x1xi32>
    %gather3A_331 = vector.shape_cast %reshape3A_330 : vector<256x256x1xi32> to vector<256x256xi32>
    %gather3A_332 = tpu.dynamic_gather %broadcast_in_dim3A_322[%gather3A_331] in [1] : vector<256x16xf32>, vector<256x256xi32> -> vector<256x256xf32>
    %mul3A_333 = arith.mulf %mul3A_298, %gather3A_318 : vector<256x256xf32>
    %convert_element_type3A_334 = arith.truncf %mul3A_333 : vector<256x256xf32> to vector<256x256xbf16>
    %mul3A_335 = arith.mulf %mul3A_298, %gather3A_332 : vector<256x256xf32>
    %convert_element_type3A_336 = arith.truncf %mul3A_335 : vector<256x256xf32> to vector<256x256xbf16>
    %convert_element_type3A_337 = arith.truncf %mul3A_190 : vector<256x256xf32> to vector<256x256xbf16>
    %dot_general3A_338 = arith.constant dense<0.000000e+00> : vector<256x256xf32>
    %dot_general3A_339 = tpu.matmul %convert_element_type3A_334, %convert_element_type3A_337, %dot_general3A_338 {dimension_numbers = #tpu.dot_dimension_numbers<[1], [0], [0], [1], [0, 0, 1, 1], [], []>, transpose_lhs_hint = false} : vector<256x256xbf16>, vector<256x256xbf16>, vector<256x256xf32> -> vector<256x256xf32>
    %convert_element_type3A_340 = arith.truncf %dot_general3A_339 : vector<256x256xf32> to vector<256x256xbf16>
    %get3A_341 = arith.constant 0 : index
    %get3A_342 = arith.constant 0 : index
    %get3A_343 = arith.constant 0 : index
    %get3A_344 = vector.load %arg9[%get3A_341, %get3A_342, %get3A_343] : memref<3x256x256xbf16, #tpu.memory_space<vmem>>, vector<1x256x256xbf16>
    %get3A_345 = vector.shape_cast %get3A_344 : vector<1x256x256xbf16> to vector<256x256xbf16>
    %dot_general3A_346 = arith.constant dense<0.000000e+00> : vector<256x256xf32>
    %dot_general3A_347 = tpu.matmul %convert_element_type3A_340, %get3A_345, %dot_general3A_346 {dimension_numbers = #tpu.dot_dimension_numbers<[1], [0], [0], [1], [0, 0, 1, 1], [], []>, transpose_lhs_hint = false} : vector<256x256xbf16>, vector<256x256xbf16>, vector<256x256xf32> -> vector<256x256xf32>
    %get3A_348 = arith.constant 0 : index
    %get3A_349 = arith.constant 0 : index
    %get3A_350 = arith.constant 0 : index
    %get3A_351 = vector.load %arg10[%get3A_348, %get3A_349, %get3A_350] : memref<3x256x256xbf16, #tpu.memory_space<vmem>>, vector<1x256x256xbf16>
    %get3A_352 = vector.shape_cast %get3A_351 : vector<1x256x256xbf16> to vector<256x256xbf16>
    %dot_general3A_353 = arith.constant dense<0.000000e+00> : vector<256x256xf32>
    %dot_general3A_354 = tpu.matmul %convert_element_type3A_337, %get3A_352, %dot_general3A_353 {dimension_numbers = #tpu.dot_dimension_numbers<[1], [0], [0], [1], [0, 0, 1, 1], [], []>, transpose_lhs_hint = false} : vector<256x256xbf16>, vector<256x256xbf16>, vector<256x256xf32> -> vector<256x256xf32>
    %add3A_355 = arith.addf %dot_general3A_347, %dot_general3A_354 : vector<256x256xf32>
    %get3A_356 = arith.constant 0 : index
    %get3A_357 = arith.constant 0 : index
    %get3A_358 = vector.load %arg11[%get3A_356, %get3A_357] : memref<3x256xf32, #tpu.memory_space<vmem>>, vector<1x256xf32>
    %get3A_359 = vector.shape_cast %get3A_358 : vector<1x256xf32> to vector<256xf32>
    %broadcast_in_dim3A_360 = vector.shape_cast %get3A_359 : vector<256xf32> to vector<1x256xf32>
    %add3A_361 = vector.broadcast %broadcast_in_dim3A_360 : vector<1x256xf32> to vector<256x256xf32>
    %add3A_362 = arith.addf %add3A_355, %add3A_361 : vector<256x256xf32>
    %logistic3A_363 = arith.negf %add3A_362 : vector<256x256xf32>
    %logistic3A_364 = math.exp %logistic3A_363 : vector<256x256xf32>
    %logistic3A_365 = arith.constant 1.000000e+00 : f32
    %logistic3A_366 = vector.broadcast %logistic3A_365 : f32 to vector<256x256xf32>
    %logistic3A_367 = arith.addf %logistic3A_366, %logistic3A_364 : vector<256x256xf32>
    %logistic3A_368 = arith.divf %logistic3A_366, %logistic3A_367 : vector<256x256xf32>
    %get3A_369 = arith.constant 1 : index
    %get3A_370 = arith.constant 0 : index
    %get3A_371 = arith.constant 0 : index
    %get3A_372 = vector.load %arg9[%get3A_369, %get3A_370, %get3A_371] : memref<3x256x256xbf16, #tpu.memory_space<vmem>>, vector<1x256x256xbf16>
    %get3A_373 = vector.shape_cast %get3A_372 : vector<1x256x256xbf16> to vector<256x256xbf16>
    %dot_general3A_374 = arith.constant dense<0.000000e+00> : vector<256x256xf32>
    %dot_general3A_375 = tpu.matmul %convert_element_type3A_340, %get3A_373, %dot_general3A_374 {dimension_numbers = #tpu.dot_dimension_numbers<[1], [0], [0], [1], [0, 0, 1, 1], [], []>, transpose_lhs_hint = false} : vector<256x256xbf16>, vector<256x256xbf16>, vector<256x256xf32> -> vector<256x256xf32>
    %get3A_376 = arith.constant 1 : index
    %get3A_377 = arith.constant 0 : index
    %get3A_378 = arith.constant 0 : index
    %get3A_379 = vector.load %arg10[%get3A_376, %get3A_377, %get3A_378] : memref<3x256x256xbf16, #tpu.memory_space<vmem>>, vector<1x256x256xbf16>
    %get3A_380 = vector.shape_cast %get3A_379 : vector<1x256x256xbf16> to vector<256x256xbf16>
    %dot_general3A_381 = arith.constant dense<0.000000e+00> : vector<256x256xf32>
    %dot_general3A_382 = tpu.matmul %convert_element_type3A_337, %get3A_380, %dot_general3A_381 {dimension_numbers = #tpu.dot_dimension_numbers<[1], [0], [0], [1], [0, 0, 1, 1], [], []>, transpose_lhs_hint = false} : vector<256x256xbf16>, vector<256x256xbf16>, vector<256x256xf32> -> vector<256x256xf32>
    %add3A_383 = arith.addf %dot_general3A_375, %dot_general3A_382 : vector<256x256xf32>
    %get3A_384 = arith.constant 1 : index
    %get3A_385 = arith.constant 0 : index
    %get3A_386 = vector.load %arg11[%get3A_384, %get3A_385] : memref<3x256xf32, #tpu.memory_space<vmem>>, vector<1x256xf32>
    %get3A_387 = vector.shape_cast %get3A_386 : vector<1x256xf32> to vector<256xf32>
    %broadcast_in_dim3A_388 = vector.shape_cast %get3A_387 : vector<256xf32> to vector<1x256xf32>
    %add3A_389 = vector.broadcast %broadcast_in_dim3A_388 : vector<1x256xf32> to vector<256x256xf32>
    %add3A_390 = arith.addf %add3A_383, %add3A_389 : vector<256x256xf32>
    %logistic3A_391 = arith.negf %add3A_390 : vector<256x256xf32>
    %logistic3A_392 = math.exp %logistic3A_391 : vector<256x256xf32>
    %logistic3A_393 = arith.constant 1.000000e+00 : f32
    %logistic3A_394 = vector.broadcast %logistic3A_393 : f32 to vector<256x256xf32>
    %logistic3A_395 = arith.addf %logistic3A_394, %logistic3A_392 : vector<256x256xf32>
    %logistic3A_396 = arith.divf %logistic3A_394, %logistic3A_395 : vector<256x256xf32>
    %get3A_397 = arith.constant 2 : index
    %get3A_398 = arith.constant 0 : index
    %get3A_399 = arith.constant 0 : index
    %get3A_400 = vector.load %arg9[%get3A_397, %get3A_398, %get3A_399] : memref<3x256x256xbf16, #tpu.memory_space<vmem>>, vector<1x256x256xbf16>
    %get3A_401 = vector.shape_cast %get3A_400 : vector<1x256x256xbf16> to vector<256x256xbf16>
    %dot_general3A_402 = arith.constant dense<0.000000e+00> : vector<256x256xf32>
    %dot_general3A_403 = tpu.matmul %convert_element_type3A_340, %get3A_401, %dot_general3A_402 {dimension_numbers = #tpu.dot_dimension_numbers<[1], [0], [0], [1], [0, 0, 1, 1], [], []>, transpose_lhs_hint = false} : vector<256x256xbf16>, vector<256x256xbf16>, vector<256x256xf32> -> vector<256x256xf32>
    %get3A_404 = arith.constant 2 : index
    %get3A_405 = arith.constant 0 : index
    %get3A_406 = arith.constant 0 : index
    %get3A_407 = vector.load %arg10[%get3A_404, %get3A_405, %get3A_406] : memref<3x256x256xbf16, #tpu.memory_space<vmem>>, vector<1x256x256xbf16>
    %get3A_408 = vector.shape_cast %get3A_407 : vector<1x256x256xbf16> to vector<256x256xbf16>
    %dot_general3A_409 = arith.constant dense<0.000000e+00> : vector<256x256xf32>
    %dot_general3A_410 = tpu.matmul %convert_element_type3A_337, %get3A_408, %dot_general3A_409 {dimension_numbers = #tpu.dot_dimension_numbers<[1], [0], [0], [1], [0, 0, 1, 1], [], []>, transpose_lhs_hint = false} : vector<256x256xbf16>, vector<256x256xbf16>, vector<256x256xf32> -> vector<256x256xf32>
    %mul3A_411 = arith.mulf %logistic3A_396, %dot_general3A_410 : vector<256x256xf32>
    %add3A_412 = arith.addf %dot_general3A_403, %mul3A_411 : vector<256x256xf32>
    %get3A_413 = arith.constant 2 : index
    %get3A_414 = arith.constant 0 : index
    %get3A_415 = vector.load %arg11[%get3A_413, %get3A_414] : memref<3x256xf32, #tpu.memory_space<vmem>>, vector<1x256xf32>
    %get3A_416 = vector.shape_cast %get3A_415 : vector<1x256xf32> to vector<256xf32>
    %broadcast_in_dim3A_417 = vector.shape_cast %get3A_416 : vector<256xf32> to vector<1x256xf32>
    %add3A_418 = vector.broadcast %broadcast_in_dim3A_417 : vector<1x256xf32> to vector<256x256xf32>
    %add3A_419 = arith.addf %add3A_412, %add3A_418 : vector<256x256xf32>
    %tanh3A_420 = math.tanh %add3A_419 : vector<256x256xf32>
    %sub3A_421 = arith.constant 1.000000e+00 : f32
    %sub3A_422 = vector.broadcast %sub3A_421 : f32 to vector<256x256xf32>
    %sub3A_423 = arith.subf %sub3A_422, %logistic3A_368 : vector<256x256xf32>
    %mul3A_424 = arith.mulf %sub3A_423, %mul3A_190 : vector<256x256xf32>
    %mul3A_425 = arith.mulf %logistic3A_368, %tanh3A_420 : vector<256x256xf32>
    %add3A_426 = arith.addf %mul3A_424, %mul3A_425 : vector<256x256xf32>
    %mul3A_427 = vector.broadcast %convert_element_type3A_51 : vector<256x1xf32> to vector<256x256xf32>
    %mul3A_428 = arith.mulf %add3A_426, %mul3A_427 : vector<256x256xf32>
    %convert_element_type3A_429 = arith.truncf %mul3A_282 : vector<256x256xf32> to vector<256x256xbf16>
    %dot_general3A_430 = arith.constant dense<0.000000e+00> : vector<256x256xf32>
    %dot_general3A_431 = tpu.matmul %convert_element_type3A_336, %convert_element_type3A_429, %dot_general3A_430 {dimension_numbers = #tpu.dot_dimension_numbers<[0], [0], [1], [1], [0, 1, 1, 1], [], []>, transpose_lhs_hint = false} : vector<256x256xbf16>, vector<256x256xbf16>, vector<256x256xf32> -> vector<256x256xf32>
    %convert_element_type3A_432 = arith.truncf %dot_general3A_431 : vector<256x256xf32> to vector<256x256xbf16>
    %get3A_433 = arith.constant 0 : index
    %get3A_434 = arith.constant 0 : index
    %get3A_435 = arith.constant 0 : index
    %get3A_436 = vector.load %arg12[%get3A_433, %get3A_434, %get3A_435] : memref<3x256x256xbf16, #tpu.memory_space<vmem>>, vector<1x256x256xbf16>
    %get3A_437 = vector.shape_cast %get3A_436 : vector<1x256x256xbf16> to vector<256x256xbf16>
    %dot_general3A_438 = arith.constant dense<0.000000e+00> : vector<256x256xf32>
    %dot_general3A_439 = tpu.matmul %convert_element_type3A_432, %get3A_437, %dot_general3A_438 {dimension_numbers = #tpu.dot_dimension_numbers<[1], [0], [0], [1], [0, 0, 1, 1], [], []>, transpose_lhs_hint = false} : vector<256x256xbf16>, vector<256x256xbf16>, vector<256x256xf32> -> vector<256x256xf32>
    %get3A_440 = arith.constant 0 : index
    %get3A_441 = arith.constant 0 : index
    %get3A_442 = arith.constant 0 : index
    %get3A_443 = vector.load %arg13[%get3A_440, %get3A_441, %get3A_442] : memref<3x256x256xbf16, #tpu.memory_space<vmem>>, vector<1x256x256xbf16>
    %get3A_444 = vector.shape_cast %get3A_443 : vector<1x256x256xbf16> to vector<256x256xbf16>
    %dot_general3A_445 = arith.constant dense<0.000000e+00> : vector<256x256xf32>
    %dot_general3A_446 = tpu.matmul %convert_element_type3A_429, %get3A_444, %dot_general3A_445 {dimension_numbers = #tpu.dot_dimension_numbers<[1], [0], [0], [1], [0, 0, 1, 1], [], []>, transpose_lhs_hint = false} : vector<256x256xbf16>, vector<256x256xbf16>, vector<256x256xf32> -> vector<256x256xf32>
    %add3A_447 = arith.addf %dot_general3A_439, %dot_general3A_446 : vector<256x256xf32>
    %get3A_448 = arith.constant 0 : index
    %get3A_449 = arith.constant 0 : index
    %get3A_450 = vector.load %arg14[%get3A_448, %get3A_449] : memref<3x256xf32, #tpu.memory_space<vmem>>, vector<1x256xf32>
    %get3A_451 = vector.shape_cast %get3A_450 : vector<1x256xf32> to vector<256xf32>
    %broadcast_in_dim3A_452 = vector.shape_cast %get3A_451 : vector<256xf32> to vector<1x256xf32>
    %add3A_453 = vector.broadcast %broadcast_in_dim3A_452 : vector<1x256xf32> to vector<256x256xf32>
    %add3A_454 = arith.addf %add3A_447, %add3A_453 : vector<256x256xf32>
    %logistic3A_455 = arith.negf %add3A_454 : vector<256x256xf32>
    %logistic3A_456 = math.exp %logistic3A_455 : vector<256x256xf32>
    %logistic3A_457 = arith.constant 1.000000e+00 : f32
    %logistic3A_458 = vector.broadcast %logistic3A_457 : f32 to vector<256x256xf32>
    %logistic3A_459 = arith.addf %logistic3A_458, %logistic3A_456 : vector<256x256xf32>
    %logistic3A_460 = arith.divf %logistic3A_458, %logistic3A_459 : vector<256x256xf32>
    %get3A_461 = arith.constant 1 : index
    %get3A_462 = arith.constant 0 : index
    %get3A_463 = arith.constant 0 : index
    %get3A_464 = vector.load %arg12[%get3A_461, %get3A_462, %get3A_463] : memref<3x256x256xbf16, #tpu.memory_space<vmem>>, vector<1x256x256xbf16>
    %get3A_465 = vector.shape_cast %get3A_464 : vector<1x256x256xbf16> to vector<256x256xbf16>
    %dot_general3A_466 = arith.constant dense<0.000000e+00> : vector<256x256xf32>
    %dot_general3A_467 = tpu.matmul %convert_element_type3A_432, %get3A_465, %dot_general3A_466 {dimension_numbers = #tpu.dot_dimension_numbers<[1], [0], [0], [1], [0, 0, 1, 1], [], []>, transpose_lhs_hint = false} : vector<256x256xbf16>, vector<256x256xbf16>, vector<256x256xf32> -> vector<256x256xf32>
    %get3A_468 = arith.constant 1 : index
    %get3A_469 = arith.constant 0 : index
    %get3A_470 = arith.constant 0 : index
    %get3A_471 = vector.load %arg13[%get3A_468, %get3A_469, %get3A_470] : memref<3x256x256xbf16, #tpu.memory_space<vmem>>, vector<1x256x256xbf16>
    %get3A_472 = vector.shape_cast %get3A_471 : vector<1x256x256xbf16> to vector<256x256xbf16>
    %dot_general3A_473 = arith.constant dense<0.000000e+00> : vector<256x256xf32>
    %dot_general3A_474 = tpu.matmul %convert_element_type3A_429, %get3A_472, %dot_general3A_473 {dimension_numbers = #tpu.dot_dimension_numbers<[1], [0], [0], [1], [0, 0, 1, 1], [], []>, transpose_lhs_hint = false} : vector<256x256xbf16>, vector<256x256xbf16>, vector<256x256xf32> -> vector<256x256xf32>
    %add3A_475 = arith.addf %dot_general3A_467, %dot_general3A_474 : vector<256x256xf32>
    %get3A_476 = arith.constant 1 : index
    %get3A_477 = arith.constant 0 : index
    %get3A_478 = vector.load %arg14[%get3A_476, %get3A_477] : memref<3x256xf32, #tpu.memory_space<vmem>>, vector<1x256xf32>
    %get3A_479 = vector.shape_cast %get3A_478 : vector<1x256xf32> to vector<256xf32>
    %broadcast_in_dim3A_480 = vector.shape_cast %get3A_479 : vector<256xf32> to vector<1x256xf32>
    %add3A_481 = vector.broadcast %broadcast_in_dim3A_480 : vector<1x256xf32> to vector<256x256xf32>
    %add3A_482 = arith.addf %add3A_475, %add3A_481 : vector<256x256xf32>
    %logistic3A_483 = arith.negf %add3A_482 : vector<256x256xf32>
    %logistic3A_484 = math.exp %logistic3A_483 : vector<256x256xf32>
    %logistic3A_485 = arith.constant 1.000000e+00 : f32
    %logistic3A_486 = vector.broadcast %logistic3A_485 : f32 to vector<256x256xf32>
    %logistic3A_487 = arith.addf %logistic3A_486, %logistic3A_484 : vector<256x256xf32>
    %logistic3A_488 = arith.divf %logistic3A_486, %logistic3A_487 : vector<256x256xf32>
    %get3A_489 = arith.constant 2 : index
    %get3A_490 = arith.constant 0 : index
    %get3A_491 = arith.constant 0 : index
    %get3A_492 = vector.load %arg12[%get3A_489, %get3A_490, %get3A_491] : memref<3x256x256xbf16, #tpu.memory_space<vmem>>, vector<1x256x256xbf16>
    %get3A_493 = vector.shape_cast %get3A_492 : vector<1x256x256xbf16> to vector<256x256xbf16>
    %dot_general3A_494 = arith.constant dense<0.000000e+00> : vector<256x256xf32>
    %dot_general3A_495 = tpu.matmul %convert_element_type3A_432, %get3A_493, %dot_general3A_494 {dimension_numbers = #tpu.dot_dimension_numbers<[1], [0], [0], [1], [0, 0, 1, 1], [], []>, transpose_lhs_hint = false} : vector<256x256xbf16>, vector<256x256xbf16>, vector<256x256xf32> -> vector<256x256xf32>
    %get3A_496 = arith.constant 2 : index
    %get3A_497 = arith.constant 0 : index
    %get3A_498 = arith.constant 0 : index
    %get3A_499 = vector.load %arg13[%get3A_496, %get3A_497, %get3A_498] : memref<3x256x256xbf16, #tpu.memory_space<vmem>>, vector<1x256x256xbf16>
    %get3A_500 = vector.shape_cast %get3A_499 : vector<1x256x256xbf16> to vector<256x256xbf16>
    %dot_general3A_501 = arith.constant dense<0.000000e+00> : vector<256x256xf32>
    %dot_general3A_502 = tpu.matmul %convert_element_type3A_429, %get3A_500, %dot_general3A_501 {dimension_numbers = #tpu.dot_dimension_numbers<[1], [0], [0], [1], [0, 0, 1, 1], [], []>, transpose_lhs_hint = false} : vector<256x256xbf16>, vector<256x256xbf16>, vector<256x256xf32> -> vector<256x256xf32>
    %mul3A_503 = arith.mulf %logistic3A_488, %dot_general3A_502 : vector<256x256xf32>
    %add3A_504 = arith.addf %dot_general3A_495, %mul3A_503 : vector<256x256xf32>
    %get3A_505 = arith.constant 2 : index
    %get3A_506 = arith.constant 0 : index
    %get3A_507 = vector.load %arg14[%get3A_505, %get3A_506] : memref<3x256xf32, #tpu.memory_space<vmem>>, vector<1x256xf32>
    %get3A_508 = vector.shape_cast %get3A_507 : vector<1x256xf32> to vector<256xf32>
    %broadcast_in_dim3A_509 = vector.shape_cast %get3A_508 : vector<256xf32> to vector<1x256xf32>
    %add3A_510 = vector.broadcast %broadcast_in_dim3A_509 : vector<1x256xf32> to vector<256x256xf32>
    %add3A_511 = arith.addf %add3A_504, %add3A_510 : vector<256x256xf32>
    %tanh3A_512 = math.tanh %add3A_511 : vector<256x256xf32>
    %sub3A_513 = arith.constant 1.000000e+00 : f32
    %sub3A_514 = vector.broadcast %sub3A_513 : f32 to vector<256x256xf32>
    %sub3A_515 = arith.subf %sub3A_514, %logistic3A_460 : vector<256x256xf32>
    %mul3A_516 = arith.mulf %sub3A_515, %mul3A_282 : vector<256x256xf32>
    %mul3A_517 = arith.mulf %logistic3A_460, %tanh3A_512 : vector<256x256xf32>
    %add3A_518 = arith.addf %mul3A_516, %mul3A_517 : vector<256x256xf32>
    %mul3A_519 = vector.broadcast %convert_element_type3A_51 : vector<256x1xf32> to vector<256x256xf32>
    %mul3A_520 = arith.mulf %add3A_518, %mul3A_519 : vector<256x256xf32>
    %convert_element_type3A_521 = arith.truncf %mul3A_428 : vector<256x256xf32> to vector<256x256xbf16>
    %convert_element_type3A_522 = arith.truncf %mul3A_520 : vector<256x256xf32> to vector<256x256xbf16>
    %get3A_523 = arith.constant 0 : index
    %get3A_524 = arith.constant 0 : index
    %get3A_525 = vector.load %arg15[%get3A_523, %get3A_524] : memref<256x256xbf16, #tpu.memory_space<vmem>>, vector<256x256xbf16>
    %dot_general3A_526 = arith.constant dense<0.000000e+00> : vector<256x256xf32>
    %dot_general3A_527 = tpu.matmul %convert_element_type3A_521, %get3A_525, %dot_general3A_526 {dimension_numbers = #tpu.dot_dimension_numbers<[1], [0], [0], [1], [0, 0, 1, 1], [], []>, transpose_lhs_hint = false} : vector<256x256xbf16>, vector<256x256xbf16>, vector<256x256xf32> -> vector<256x256xf32>
    %get3A_528 = arith.constant 0 : index
    %get3A_529 = arith.constant 0 : index
    %get3A_530 = vector.load %arg16[%get3A_528, %get3A_529] : memref<256x256xbf16, #tpu.memory_space<vmem>>, vector<256x256xbf16>
    %dot_general3A_531 = arith.constant dense<0.000000e+00> : vector<256x256xf32>
    %dot_general3A_532 = tpu.matmul %convert_element_type3A_522, %get3A_530, %dot_general3A_531 {dimension_numbers = #tpu.dot_dimension_numbers<[1], [0], [0], [1], [0, 0, 1, 1], [], []>, transpose_lhs_hint = false} : vector<256x256xbf16>, vector<256x256xbf16>, vector<256x256xf32> -> vector<256x256xf32>
    %add3A_533 = arith.addf %dot_general3A_527, %dot_general3A_532 : vector<256x256xf32>
    %get3A_534 = arith.constant 0 : index
    %get3A_535 = arith.constant 0 : index
    %get3A_536 = vector.load %arg17[%get3A_534, %get3A_535] : memref<1x256xf32, #tpu.memory_space<vmem>>, vector<1x256xf32>
    %get3A_537 = vector.shape_cast %get3A_536 : vector<1x256xf32> to vector<256xf32>
    %broadcast_in_dim3A_538 = vector.shape_cast %get3A_537 : vector<256xf32> to vector<1x256xf32>
    %add3A_539 = vector.broadcast %broadcast_in_dim3A_538 : vector<1x256xf32> to vector<256x256xf32>
    %add3A_540 = arith.addf %add3A_533, %add3A_539 : vector<256x256xf32>
    %swap3A = arith.constant 0 : index
    %swap3A_541 = arith.constant 0 : index
    %swap3A_542 = arith.constant 0 : index
    %swap3A_543 = vector.load %arg18[%swap3A, %swap3A_541, %swap3A_542] : memref<1x256x256xf32, #tpu.memory_space<vmem>>, vector<1x256x256xf32>
    %swap3A_544 = vector.shape_cast %swap3A_543 : vector<1x256x256xf32> to vector<256x256xf32>
    %swap3A_545 = vector.shape_cast %add3A_540 : vector<256x256xf32> to vector<1x256x256xf32>
    tpu.vector_store %arg18[%swap3A, %swap3A_541, %swap3A_542], %swap3A_545 {strides = array<i32>} : memref<1x256x256xf32, #tpu.memory_space<vmem>>, vector<1x256x256xf32>,
    %max3A = arith.constant 1 : i32
    %max3A_546 = arith.maxsi %get3A_48, %max3A : i32
    %convert_element_type3A_547 = arith.sitofp %max3A_546 : i32 to f32
    %div3A = arith.constant 1.000000e+00 : f32
    %div3A_548 = arith.divf %div3A, %convert_element_type3A_547 : f32
    %reduce_sum3A = arith.constant dense<0.000000e+00> : vector<256xf32>
    %reduce_sum3A_549 = vector.multi_reduction <add>, %mul3A_428, %reduce_sum3A [0] : vector<256x256xf32> to vector<256xf32>
    %broadcast_in_dim3A_550 = vector.shape_cast %reduce_sum3A_549 : vector<256xf32> to vector<1x256xf32>
    %mul3A_551 = vector.broadcast %div3A_548 : f32 to vector<1x256xf32>
    %mul3A_552 = arith.mulf %broadcast_in_dim3A_550, %mul3A_551 : vector<1x256xf32>
    %convert_element_type3A_553 = arith.truncf %mul3A_552 : vector<1x256xf32> to vector<1x256xbf16>
    %reduce_sum3A_554 = arith.constant dense<0.000000e+00> : vector<256xf32>
    %reduce_sum3A_555 = vector.multi_reduction <add>, %mul3A_520, %reduce_sum3A_554 [0] : vector<256x256xf32> to vector<256xf32>
    %broadcast_in_dim3A_556 = vector.shape_cast %reduce_sum3A_555 : vector<256xf32> to vector<1x256xf32>
    %mul3A_557 = vector.broadcast %div3A_548 : f32 to vector<1x256xf32>
    %mul3A_558 = arith.mulf %broadcast_in_dim3A_556, %mul3A_557 : vector<1x256xf32>
    %convert_element_type3A_559 = arith.truncf %mul3A_558 : vector<1x256xf32> to vector<1x256xbf16>
    %get3A_560 = arith.constant 0 : index
    %get3A_561 = arith.constant 0 : index
    %get3A_562 = vector.load %arg15[%get3A_560, %get3A_561] : memref<256x256xbf16, #tpu.memory_space<vmem>>, vector<256x256xbf16>
    %dot_general3A_563 = arith.constant dense<0.000000e+00> : vector<1x256xf32>
    %dot_general3A_564 = tpu.matmul %convert_element_type3A_553, %get3A_562, %dot_general3A_563 {dimension_numbers = #tpu.dot_dimension_numbers<[1], [0], [0], [1], [0, 0, 1, 1], [], []>, transpose_lhs_hint = false} : vector<1x256xbf16>, vector<256x256xbf16>, vector<1x256xf32> -> vector<1x256xf32>
    %get3A_565 = arith.constant 0 : index
    %get3A_566 = arith.constant 0 : index
    %get3A_567 = vector.load %arg16[%get3A_565, %get3A_566] : memref<256x256xbf16, #tpu.memory_space<vmem>>, vector<256x256xbf16>
    %dot_general3A_568 = arith.constant dense<0.000000e+00> : vector<1x256xf32>
    %dot_general3A_569 = tpu.matmul %convert_element_type3A_559, %get3A_567, %dot_general3A_568 {dimension_numbers = #tpu.dot_dimension_numbers<[1], [0], [0], [1], [0, 0, 1, 1], [], []>, transpose_lhs_hint = false} : vector<1x256xbf16>, vector<256x256xbf16>, vector<1x256xf32> -> vector<1x256xf32>
    %add3A_570 = arith.addf %dot_general3A_564, %dot_general3A_569 : vector<1x256xf32>
    %get3A_571 = arith.constant 0 : index
    %get3A_572 = arith.constant 0 : index
    %get3A_573 = vector.load %arg17[%get3A_571, %get3A_572] : memref<1x256xf32, #tpu.memory_space<vmem>>, vector<1x256xf32>
    %get3A_574 = vector.shape_cast %get3A_573 : vector<1x256xf32> to vector<256xf32>
    %broadcast_in_dim3A_575 = vector.shape_cast %get3A_574 : vector<256xf32> to vector<1x256xf32>
    %add3A_576 = arith.addf %add3A_570, %broadcast_in_dim3A_575 : vector<1x256xf32>
    %swap3A_577 = arith.constant 0 : index
    %swap3A_578 = arith.constant 0 : index
    %swap3A_579 = arith.constant 0 : index
    %swap3A_580 = vector.load %arg19[%swap3A_577, %swap3A_578, %swap3A_579] : memref<1x1x256xf32, #tpu.memory_space<vmem>>, vector<1x1x256xf32>
    %swap3A_581 = vector.shape_cast %swap3A_580 : vector<1x1x256xf32> to vector<1x256xf32>
    %swap3A_582 = vector.shape_cast %add3A_576 : vector<1x256xf32> to vector<1x1x256xf32>
    tpu.vector_store %arg19[%swap3A_577, %swap3A_578, %swap3A_579], %swap3A_582 {strides = array<i32>} : memref<1x1x256xf32, #tpu.memory_space<vmem>>, vector<1x1x256xf32>,
    return
  }
  func.func @transform_0(%arg0: i32) -> i32 {
    %c0_i32 = arith.constant 0 : i32
    %c0_i32_0 = arith.constant 0 : i32
    return %c0_i32 : i32
  }
  func.func @transform_1(%arg0: i32) -> i32 {
    %c0_i32 = arith.constant 0 : i32
    %c0_i32_0 = arith.constant 0 : i32
    return %c0_i32 : i32
  }
  func.func @transform_2(%arg0: i32) -> i32 {
    %c0_i32 = arith.constant 0 : i32
    %c0_i32_0 = arith.constant 0 : i32
    return %c0_i32 : i32
  }
  func.func @transform_3(%arg0: i32) -> (i32, i32, i32) {
    %c0_i32 = arith.constant 0 : i32
    %c0_i32_0 = arith.constant 0 : i32
    %c0_i32_1 = arith.constant 0 : i32
    return %c0_i32, %arg0, %c0_i32_0 : i32, i32, i32
  }
  func.func @transform_4(%arg0: i32) -> (i32, i32, i32) {
    %c0_i32 = arith.constant 0 : i32
    %c0_i32_0 = arith.constant 0 : i32
    %c0_i32_1 = arith.constant 0 : i32
    return %arg0, %c0_i32, %c0_i32_0 : i32, i32, i32
  }
  func.func @transform_5(%arg0: i32) -> (i32, i32, i32, i32) {
    %c0_i32 = arith.constant 0 : i32
    %c0_i32_0 = arith.constant 0 : i32
    %c0_i32_1 = arith.constant 0 : i32
    %c0_i32_2 = arith.constant 0 : i32
    return %arg0, %c0_i32, %c0_i32_0, %c0_i32_1 : i32, i32, i32, i32
  }
  func.func @transform_6(%arg0: i32) -> (i32, i32, i32, i32) {
    %c0_i32 = arith.constant 0 : i32
    %c0_i32_0 = arith.constant 0 : i32
    %c0_i32_1 = arith.constant 0 : i32
    %c0_i32_2 = arith.constant 0 : i32
    return %arg0, %c0_i32, %c0_i32_0, %c0_i32_1 : i32, i32, i32, i32
  }
  func.func @transform_7(%arg0: i32) -> (i32, i32, i32, i32) {
    %c0_i32 = arith.constant 0 : i32
    %c0_i32_0 = arith.constant 0 : i32
    %c0_i32_1 = arith.constant 0 : i32
    %c0_i32_2 = arith.constant 0 : i32
    return %arg0, %c0_i32, %c0_i32_0, %c0_i32_1 : i32, i32, i32, i32
  }
  func.func @transform_8(%arg0: i32) -> (i32, i32, i32) {
    %c0_i32 = arith.constant 0 : i32
    %c0_i32_0 = arith.constant 0 : i32
    %c0_i32_1 = arith.constant 0 : i32
    %c0_i32_2 = arith.constant 0 : i32
    return %c0_i32, %c0_i32_0, %c0_i32_1 : i32, i32, i32
  }
  func.func @transform_9(%arg0: i32) -> (i32, i32, i32) {
    %c0_i32 = arith.constant 0 : i32
    %c0_i32_0 = arith.constant 0 : i32
    %c0_i32_1 = arith.constant 0 : i32
    %c0_i32_2 = arith.constant 0 : i32
    return %c0_i32, %c0_i32_0, %c0_i32_1 : i32, i32, i32
  }
  func.func @transform_10(%arg0: i32) -> (i32, i32) {
    %c0_i32 = arith.constant 0 : i32
    %c0_i32_0 = arith.constant 0 : i32
    %c0_i32_1 = arith.constant 0 : i32
    return %c0_i32, %c0_i32_0 : i32, i32
  }
  func.func @transform_11(%arg0: i32) -> (i32, i32, i32) {
    %c0_i32 = arith.constant 0 : i32
    %c0_i32_0 = arith.constant 0 : i32
    %c0_i32_1 = arith.constant 0 : i32
    %c0_i32_2 = arith.constant 0 : i32
    return %c0_i32, %c0_i32_0, %c0_i32_1 : i32, i32, i32
  }
  func.func @transform_12(%arg0: i32) -> (i32, i32, i32) {
    %c0_i32 = arith.constant 0 : i32
    %c0_i32_0 = arith.constant 0 : i32
    %c0_i32_1 = arith.constant 0 : i32
    %c0_i32_2 = arith.constant 0 : i32
    return %c0_i32, %c0_i32_0, %c0_i32_1 : i32, i32, i32
  }
  func.func @transform_13(%arg0: i32) -> (i32, i32) {
    %c0_i32 = arith.constant 0 : i32
    %c0_i32_0 = arith.constant 0 : i32
    %c0_i32_1 = arith.constant 0 : i32
    return %c0_i32, %c0_i32_0 : i32, i32
  }
  func.func @transform_14(%arg0: i32) -> (i32, i32) {
    %c0_i32 = arith.constant 0 : i32
    %c0_i32_0 = arith.constant 0 : i32
    %c0_i32_1 = arith.constant 0 : i32
    return %c0_i32, %c0_i32_0 : i32, i32
  }
  func.func @transform_15(%arg0: i32) -> (i32, i32) {
    %c0_i32 = arith.constant 0 : i32
    %c0_i32_0 = arith.constant 0 : i32
    %c0_i32_1 = arith.constant 0 : i32
    return %c0_i32, %c0_i32_0 : i32, i32
  }
  func.func @transform_16(%arg0: i32) -> (i32, i32) {
    %c0_i32 = arith.constant 0 : i32
    %c0_i32_0 = arith.constant 0 : i32
    %c0_i32_1 = arith.constant 0 : i32
    return %c0_i32, %c0_i32_0 : i32, i32
  }
  func.func @transform_17(%arg0: i32) -> (i32, i32, i32) {
    %c0_i32 = arith.constant 0 : i32
    %c0_i32_0 = arith.constant 0 : i32
    %c0_i32_1 = arith.constant 0 : i32
    return %arg0, %c0_i32, %c0_i32_0 : i32, i32, i32
  }
  func.func @transform_18(%arg0: i32) -> (i32, i32, i32) {
    %c0_i32 = arith.constant 0 : i32
    %c0_i32_0 = arith.constant 0 : i32
    %c0_i32_1 = arith.constant 0 : i32
    return %arg0, %c0_i32, %c0_i32_0 : i32, i32, i32
  }
}

</mosaic_0001>

<sc_bundles>
// kernel: kernel.4.cloned.1.call-start
scs
__scs_entry_jumppad:
0x0: {  	(pc) =	sbr.rel $0x88, $3  }
0x1: {  	(tag) =	ssettag $0x0;
	lr =	simm.s32 $0x1  }
0x2: {  	[smem:$0x3F91] =	sst lr;
	_ =	strace $0xD0000000  }
0x3: {  	_ = 	snop  }
0x4: {  	_ = 	snop  }
0x5: {  	_ = 	snop  }
0x6: {  	_ = 	snop  }
0x7: {  	_ = 	snop  }
__scs_overlays_trampoline_lowered:
0x8: {  	[smem:$0x3FA0] =	sst s0  }
0x9: {  	[smem:$0x3FA1] =	sst s1  }
0xa: {  	[smem:$0x3FA2] =	sst s2  }
0xb: {  	[smem:$0x3FA3] =	sst s3  }
0xc: {  	[smem:$0x3FA4] =	sst s4  }
0xd: {  	[smem:$0x3FA5] =	sst s5  }
0xe: {  	[smem:$0x3FA6] =	sst s6  }
0xf: {  	[smem:$0x3FA7] =	sst s7  }
0x10: {  	[smem:$0x3FA8] =	sst s8  }
0x11: {  	[smem:$0x3FA9] =	sst s9;
	s0 =	simm.s32 @!p0 $0x0  }
0x12: {  	s1 =	sld [smem:$0x3F8F];
	s0 =	simm.s32 @p0 $0x1  }
0x13: {  	[smem:$0x3FAA] =	sst s0;
	s0 =	simm.s32 @!p1 $0x0  }
0x14: {  	s2 =	sld [smem:$0x3F8E];
	s0 =	simm.s32 @p1 $0x1  }
0x15: {  	[smem:$0x3FAB] =	sst s0;
	s0 =	simm.s32 @!p2 $0x0  }
0x16: {  	s3 =	sld [smem:$0x3FDB];
	s0 =	simm.s32 @p2 $0x1  }
0x17: {  	s4 =	simm.s32 $0x1BF5;
	[smem:$0x3FAD] =	sst s0  }
0x18: {  	s0 =	sld [smem:$0x3F90];
	_ =	swait.ge [sflag:s4], $0x0  }
0x19: {  	s7 =	sld [smem:$0x3F91]  }
0x1a: {  	s8 =	sadd.s32 $0xFFFFE003, lr  }
0x1b: {  	s9 =	sadd.s32 $0xFFFFFEF7, lr;
	s5 =	simm.s32 $0xFFFFFFFF;
	p2 =	slt.u32 s8, $0xFFFFF086  }
0x1c: {  	p1 =	slt.u32 s9, $0xF7A;
	s5 =	simm.s32 @!p2 $0x0  }
0x1d: {  	s5 =	simm.s32 @p1 $0x1;
	p0 =	seq.s32 s7, s2  }
0x1e: {  	s7 =	smul.u32 @!p0 $0xF7A, s2;
	p2 =	seq.s32 @!p0 s5, $0x0  }
0x1f: {  	s9 =	smul.u32 $0xF7A, s1;
	s8 =	simm.s32 @!p0 $0x1BF5;
	p2 =	por !p2, p0  }
0x20: {  	[sflag:s8] =	ssyncset.s32 @!p0 $0xFFFFF086;
	s6 =	sadd.s32 @!p0 s3, s7;
	s7 =	simm.s32 @!p0 $0x108  }
0x21: {  	s3 =	sadd.s32 s3, s9;
	s6 =	sadd.s32 @!p0 $0x88, s6;
	s7 =	simm.s32 @p2 $0x1082  }
0x22: {  	[simem:s7], [sflag:s8] =	dma.local @!p0 [hbm:s6], $0xF7A  }
0x23: {  	s9 =	sor.u32 $0xD0000000, s2;
	s6 =	simm.s32 $0x108;
	_ =	swait.ge @!p0 [sflag:s8], $0x0  }
0x24: {  	s3 =	sadd.s32 $0x88, s3;
	s6 =	simm.s32 @!p1 $0x1082;
	[sflag:s4] =	ssyncset.s32 $0xFFFFF086  }
0x25: {  	[simem:s6], [sflag:s4] =	dma.local [hbm:s3], $0xF7A  }
0x26: {  	[smem:$0x3F91] =	sst s1;
	(tag) =	ssettag s2;
	_ =	strace s9  }
0x27: {  	s1 =	sld [smem:$0x3FA1]  }
0x28: {  	s2 =	sld [smem:$0x3FA2]  }
0x29: {  	s4 =	sld [smem:$0x3FA4]  }
0x2a: {  	p0 =	seq.s32 s5, $0x0;
	s5 =	sld [smem:$0x3FA5]  }
0x2b: {  	s6 =	sld [smem:$0x3FA6]  }
0x2c: {  	s7 =	sld [smem:$0x3FA7]  }
0x2d: {  	s3 =	simm.s32 $0x108;
	s8 =	sld [smem:$0x3FA8]  }
0x2e: {  	s3 =	simm.s32 @!p0 $0x1082;
	s9 =	sld [smem:$0x3FA9]  }
0x2f: {  	lr =	sadd.s32 s0, s3;
	s0 =	sld [smem:$0x3FA0]  }
0x30: {  	s3 =	sld [smem:$0x3FA3]  }
0x31: {  	[smem:$0x3FAC] =	sst s10  }
0x32: {  	s10 =	sld [smem:$0x3FAA];
	_ =	sdelay $0x3  }
0x33: {  	p0 =	seq.s32 s10, $0x1;
	s10 =	sld [smem:$0x3FAC];
	_ =	sdelay $0x3  }
0x34: {  	[smem:$0x3FAC] =	sst s10  }
0x35: {  	s10 =	sld [smem:$0x3FAB];
	_ =	sdelay $0x3  }
0x36: {  	p1 =	seq.s32 s10, $0x1;
	s10 =	sld [smem:$0x3FAC];
	_ =	sdelay $0x3  }
0x37: {  	[smem:$0x3FAC] =	sst s10  }
0x38: {  	s10 =	sld [smem:$0x3FAD]  }
0x39: {  	_ = 	snop;
	(pc) =	sbr.ind lr, $3  }
0x3a: {  	_ = 	snop  }
0x3b: {  	_ = 	snop  }
0x3c: {  	p2 =	seq.s32 s10, $0x1;
	s10 =	sld [smem:$0x3FAC]  }
0x3d: {  	_ =	shalt  }
0x3e: {  	_ =	shalt  }
0x3f: {  	_ =	shalt  }
0x40: {  	_ =	shalt  }
0x41: {  	_ =	shalt  }
0x42: {  	_ =	shalt  }
0x43: {  	_ =	shalt  }
0x44: {  	_ =	shalt  }
0x45: {  	_ =	shalt  }
0x46: {  	_ =	shalt  }
0x47: {  	_ =	shalt  }
0x48: {  	_ =	shalt  }
0x49: {  	_ =	shalt  }
0x4a: {  	_ =	shalt  }
0x4b: {  	_ =	shalt  }
0x4c: {  	_ =	shalt  }
0x4d: {  	_ =	shalt  }
0x4e: {  	_ =	shalt  }
0x4f: {  	_ =	shalt  }
0x50: {  	_ =	shalt  }
0x51: {  	_ =	shalt  }
0x52: {  	_ =	shalt  }
0x53: {  	_ =	shalt  }
0x54: {  	_ =	shalt  }
0x55: {  	_ =	shalt  }
0x56: {  	_ =	shalt  }
0x57: {  	_ =	shalt  }
0x58: {  	_ =	shalt  }
0x59: {  	_ =	shalt  }
0x5a: {  	_ =	shalt  }
0x5b: {  	_ =	shalt  }
0x5c: {  	_ =	shalt  }
0x5d: {  	_ =	shalt  }
0x5e: {  	_ =	shalt  }
0x5f: {  	_ =	shalt  }
0x60: {  	_ =	shalt  }
0x61: {  	_ =	shalt  }
0x62: {  	_ =	shalt  }
0x63: {  	_ =	shalt  }
0x64: {  	_ =	shalt  }
0x65: {  	_ =	shalt  }
0x66: {  	_ =	shalt  }
0x67: {  	_ =	shalt  }
0x68: {  	_ =	shalt  }
0x69: {  	_ =	shalt  }
0x6a: {  	_ =	shalt  }
0x6b: {  	_ =	shalt  }
0x6c: {  	_ =	shalt  }
0x6d: {  	_ =	shalt  }
0x6e: {  	_ =	shalt  }
0x6f: {  	_ =	shalt  }
0x70: {  	_ =	shalt  }
0x71: {  	_ =	shalt  }
0x72: {  	_ =	shalt  }
0x73: {  	_ =	shalt  }
0x74: {  	_ =	shalt  }
0x75: {  	_ =	shalt  }
0x76: {  	_ =	shalt  }
0x77: {  	_ =	shalt  }
0x78: {  	_ =	shalt  }
0x79: {  	_ =	shalt  }
0x7a: {  	_ =	shalt  }
0x7b: {  	_ =	shalt  }
0x7c: {  	_ =	shalt  }
0x7d: {  	_ =	shalt  }
0x7e: {  	_ =	shalt  }
0x7f: {  	_ =	shalt  }
0x80: {  	_ =	shalt  }
0x81: {  	_ =	shalt  }
0x82: {  	_ =	shalt  }
0x83: {  	_ =	shalt  }
0x84: {  	_ =	shalt  }
0x85: {  	_ =	shalt  }
0x86: {  	_ =	shalt  }
0x87: {  	_ =	shalt  }
.Lfunc_end0:
.L_simem_size_0:
called_computation_lowered:
.L_overlay_start_0:
0x88: {  	s2 =	sld [smem:$0x3FD9]  }
0x89: {  	s3 =	sld [smem:$0x3FFE];
	_ =	sdelay $0x1  }
0x8a: {  	s1 =	srdreg.scid  }
0x8b: {  	s0 =	sand.u32 $0x1, s1  }
0x8c: {  	s14 =	sshll.u32 s0, $0xA;
	s2 =	sadd.s32 s3, s2  }
0x8d: {  	s2 =	sadd.s32 s2, s14  }
0x8e: {  	[smem:$0x3FB8] =	sst s2  }
0x8f: {  	_ = 	snop  }
0x90: {  	s2 =	sld [smem:$0x3FD0];
	_ =	sdelay $0x2  }
0x91: {  	s4 =	simm.s32 $0xA;
	s5 =	simm.s32 $0x10;
	s15 =	sld [smem:$0x3FC4]  }
0x92: {  	[smem:s5], [sflag:s4] =	dma.local [hbm:s2], $0x1  }
0x93: {  	_ =	swait.eq [sflag:s4], $0x1  }
0x94: {  	[sflag:s4] =	ssyncset.done $0x0  }
0x95: {  	[sflag:s4] =	ssyncadd.s32 $0xFFFFFFFF  }
0x96: {  	s16 =	sld [smem:$0x10];
	(tm) =	ssettm $0x1  }
0x97: {  	s17 =	sld [smem:$0x3FFB];
	_ =	sdelay $0x3  }
0x98: {  	_ =	strace s17  }
0x99: {  	s4 =	sld [smem:$0x3FFC];
	_ =	sdelay $0x3  }
0x9a: {  	_ =	strace s4  }
0x9b: {  	s4 =	sld [smem:$0x3FFD];
	_ =	sdelay $0x3  }
0x9c: {  	_ =	strace s4  }
0x9d: {  	_ =	strace $0x8FFFFFFF  }
0x9e: {  	s18 =	sld [smem:$0x3FDB];
	_ =	sdelay $0x1  }
0x9f: {  	s19 =	simm.s32 $_scs_section_size  }
0xa0: {  	s6 =	simm.s32 $_size__tile_overlayer_lowered;
	s7 =	simm.s32 $_tile_overlayer_lowered  }
0xa1: {  	s22 =	simm.s32 $0x1BFF;
	s21 =	sshll.u32 s7, $0x1;
	s4 =	sadd.s32 s19, s18  }
0xa2: {  	s8 =	simm.s32 $0x0;
	s20 =	sshll.u32 s6, $0x1;
	s6 =	sadd.s32 s21, s4  }
0xa3: {  	[timem:s8], [sflag:s22] =	dma.local [hbm:s6], s20  }
0xa4: {  	_ =	swait.ge [sflag:s22], s20  }
0xa5: {  	s5 =	ssub.s32 $0x0, s20;
	[sflag:s22] =	ssyncset.done $0x0  }
0xa6: {  	[sflag:s22] =	ssyncadd.s32 s5;
	_ =	sdelay $0x1  }
0xa7: {  	s23 =	simm.s32 $0x1B8B  }
0xa8: {  	_ =	swait.ge [sflag:s23], $0x1  }
0xa9: {  	[sflag:s23] =	ssyncset.done $0x0  }
0xaa: {  	s25 =	simm.s32 $0x1B8E;
	s24 =	sld [smem:$0x3FFE];
	[sflag:s23] =	ssyncadd.s32 $0xFFFFFFFF  }
0xab: {  	s26 =	simm.s32 $execute0_lowered;
	[smem:$0x3FD2] =	sst s25  }
0xac: {  	s6 =	sshll.u32 s26, $0x1;
	_ =	strace $0x80000046;
	[dreg:$0x1] =	wrdreg $0xFFFFFFFF  }
0xad: {  	s28 =	simm.s32 $_size_execute0_lowered;
	s4 =	sadd.s32 s4, s6;
	[dreg:$0x0] =	wrdreg $0x0  }
0xae: {  	s6 =	sshll.u32 s28, $0x1;
	[dreg:$0x2] =	wrdreg s4  }
0xaf: {  	[dreg:$0x3] =	wrdreg s6  }
0xb0: {  	[dreg:$0x4] =	wrdreg $0xC0  }
0xb1: {  	_ =	task [dreg:s8], $0x5FFFF  }
0xb2: {  	[dreg:$0x1] =	wrdreg $0xFFFFFFFF  }
0xb3: {  	[dreg:$0x0] =	wrdreg $0x60  }
0xb4: {  	[dreg:$0x2] =	wrdreg s15  }
0xb5: {  	[dreg:$0x3] =	wrdreg s16  }
0xb6: {  	[dreg:$0x4] =	wrdreg s24  }
0xb7: {  	[dreg:$0x5] =	wrdreg $0x9  }
0xb8: {  	_ =	task.clear_ibuf [dreg:s8], $0x6FFFF;
	_ =	strace $0x90000046  }
0xb9: {  	s29 =	simm.s32 $0x9;
	_ =	strace $0x80000048  }
0xba: {  	_ =	swait.ge [sflag:s29], $0x1  }
0xbb: {  	[sflag:s29] =	ssyncadd.s32 $0xFFFFFFFF  }
0xbc: {  	_ =	strace $0x90000048  }
0xbd: {  	_ =	sfence  }
0xbe: {  	s30 =	sld [smem:$0x0];
	_ =	sdelay $0x2  }
0xbf: {  	s31 =	sshll.u32 s1, $0xD;
	s1 =	sshrl.u32 s1, $0x2  }
0xc0: {  	s3 =	sand.u32 $0x4000, s31;
	s1 =	sadd.s32 s1, s30  }
0xc1: {  	s0 =	sor.u32 s3, s0;
	s1 =	sshll.u32 s1, $0x11  }
0xc2: {  	s0 =	sor.u32 s1, s0  }
0xc3: {  	s0 =	sadd.s32 $0x8F2B, s0  }
0xc4: {  	[sflag:s0] =	ssyncadd.remote.s32 $0x1  }
0xc5: {  	_ =	sfence.sel $0xFFFF  }
0xc6: {  	[dreg:$0x0] =	wrdreg $0xFFFFFFFF;
	(pc) =	sbr.abs _section_cstart, $3  }
0xc7: {  	[dreg:$0x1] =	wrdreg $0xFFFFFFFF  }
0xc8: {  	_ =	task.clear_ibuf [dreg:s8], $0x2FFFF;
	_ =	strace $0x9FFFFFFF  }
0xc9: {  	(tm) =	ssettm $0x7FFFFFFF  }
tec
execute0_lowered:
.L_overlay_start_1:
0x0: {  	(tag) =	ssettag $0x1  }
0x1: {  	s1 =	rddreg [dreg:$0x0]  }
0x2: {  	s0 =	srdreg.scid;
	s2 =	rddreg [dreg:$0x1]  }
0x3: {  	s3 =	stileid.u32;
	s4 =	rddreg [dreg:$0x2]  }
0x4: {  	s13 =	simm.s32 $0x2;
	s14 =	simm.s32 $0x3;
	s15 =	simm.s32 $0x4  }
0x5: {  	s17 =	simm.s32 $0xA00;
	s18 =	simm.s32 $0x1200;
	s19 =	simm.s32 $0x1A00  }
0x6: {  	s20 =	simm.s32 $0x2200;
	s21 =	simm.s32 $0x2A00;
	s28 =	simm.s32 $0x5200  }
0x7: {  	s29 =	simm.s32 $0x5A00;
	s30 =	simm.s32 $0x6200;
	s31 =	simm.s32 $0x6A00  }
0x8: {  	s7 =	simm.s32 $0x8A00;
	s8 =	simm.s32 $0x9200;
	s9 =	simm.s32 $0x9A00  }
0x9: {  	s10 =	simm.s32 $0xA200;
	s11 =	simm.s32 $0xAA00;
	s0 =	sand.u32 $0x1, s0  }
0xa: {  	s5 =	sshll.u32 s3, $0xA;
	s3 =	simm.s32 $0x0;
	s6 =	sshll.u32 s0, $0x9  }
0xb: {  	[smem:$0x7FF] =	sst s3;
	s0 =	ssub.s32 $0x2, s0;
	s5 =	sor.u32 s6, s5  }
0xc: {  	_ =	strace $0x80000047;
	s6 =	sshll.u32 s5, $0x5;
	s5 =	sshrl.u32 s5, $0x3  }
0xd: {  	s24 =	sshrl.u32 s0, $0x1;
	s4 =	sadd.s32 s6, s4;
	s2 =	sadd.s32 s2, s5  }
0xe: {  	s0 =	ssub.s32 s0, s24;
	[dreg:$0x4] =	wrdreg s2;
	s22 =	sadd.s32 $0x3000, s4  }
0xf: {  	s24 =	simm.s32 $0x3A00;
	s23 =	sadd.s32 $0x4000, s4;
	[dreg:$0x5] =	wrdreg s22  }
0x10: {  	s6 =	simm.s32 $0x1;
	s25 =	sadd.s32 $0x5000, s4;
	[dreg:$0x6] =	wrdreg s23  }
0x11: {  	v2 =	vlaneseq.u32;
	s5 =	simm.s32 $0x7A00;
	s26 =	sadd.s32 $0x6000, s4;
	[dreg:$0x7] =	wrdreg s25  }
0x12: {  	vm0 =	vmmov $0xffff;
	v1 =	vshrl.u32 v2, $0x3;
	s4 =	smax.u32 s0, $0x1;
	[dreg:$0x8] =	wrdreg s26;
	s23 =	simm.s32 $0x3200  }
0x13: {  	v0 =	vand.u32 $0x7, v2;
	v2 =	vor.u32 $0x8, v2;
	v1 =	vmul.u32 $0x8, v1;
	s25 =	simm.s32 $0x4200;
	s26 =	simm.s32 $0x4A00;
	s22 =	simm.s32 $0xB200  }
.LBB2_1:
0x14: {  	s16 =	rddreg [dreg:$0x4];
	s0 =	simm.s32 $0x5  }
0x15: {  	[tilespmem:s3], [sflag:$0x5] =	stream.linear.gather [hbm4b:s16+s3], $0x200, $0x38;
	[tilespmem:$0x10200] =	vst v63  }
0x16: {  	_ =	swait.ge [sflag:s0], $0x200  }
0x17: {  	[sflag:s0] =	ssyncset.done $0x0  }
0x18: {  	[sflag:s0] =	ssyncadd.s32 $0xFFFFFE00  }
0x19: {  	v3 =	vld [tilespmem:$0x0];
	_ =	sdelay $0x4  }
0x1a: {  	v4 =	vshll.u32 v3, $0x1  }
0x1b: {  	v3 =	vand.u32 $0x7, v3;
	v4 =	vand.u32 $0xFFFFFFF0, v4  }
0x1c: {  	v3 =	vor.u32 v3, v4  }
0x1d: {  	v4 =	vperm.xlane v3, v0;
	_ =	sdelay $0x1  }
0x1e: {  	v3 =	vperm.xlane v3, v2;
	v4 =	vadd.s32 v1, v4;
	_ =	sdelay $0x1  }
0x1f: {  	v3 =	vadd.s32 v1, v3;
	_ =	sdelay $0x1  }
0x20: {  	s12 =	simm.s32 $0x200  }
0x21: {  	[tilespmem:s12], [sflag:$0x1] =	stream.indirect_vreg.gather [hbm4b:s1+s3], $0x80, v4, vm0, $0xb8;
	[tilespmem:$0x10200] =	vst v63  }
0x22: {  	_ = 	snop  }
0x23: {  	[tilespmem:s17], [sflag:$0x1] =	stream.indirect_vreg.gather [hbm4b:s1+s3], $0x80, v3, vm0, $0xb8;
	[tilespmem:$0x10200] =	vst v63  }
0x24: {  	v3 =	vld [tilespmem:$0x10];
	_ =	sdelay $0x4  }
0x25: {  	v33 =	vshll.u32 v3, $0x1  }
0x26: {  	v3 =	vand.u32 $0x7, v3;
	v4 =	vand.u32 $0xFFFFFFF0, v33  }
0x27: {  	v3 =	vor.u32 v3, v4  }
0x28: {  	v4 =	vperm.xlane v3, v0;
	_ =	sdelay $0x1  }
0x29: {  	v3 =	vperm.xlane v3, v2;
	v4 =	vadd.s32 v1, v4;
	_ =	sdelay $0x1  }
0x2a: {  	v3 =	vadd.s32 v1, v3;
	_ =	sdelay $0x2  }
0x2b: {  	[tilespmem:s18], [sflag:$0x1] =	stream.indirect_vreg.gather [hbm4b:s1+s3], $0x80, v4, vm0, $0xb8;
	[tilespmem:$0x10200] =	vst v63  }
0x2c: {  	_ = 	snop  }
0x2d: {  	[tilespmem:s19], [sflag:$0x1] =	stream.indirect_vreg.gather [hbm4b:s1+s3], $0x80, v3, vm0, $0xb8;
	[tilespmem:$0x10200] =	vst v63  }
0x2e: {  	v3 =	vld [tilespmem:$0x20];
	_ =	sdelay $0x4  }
0x2f: {  	v34 =	vshll.u32 v3, $0x1  }
0x30: {  	v3 =	vand.u32 $0x7, v3;
	v4 =	vand.u32 $0xFFFFFFF0, v34  }
0x31: {  	v3 =	vor.u32 v3, v4  }
0x32: {  	v4 =	vperm.xlane v3, v0;
	_ =	sdelay $0x1  }
0x33: {  	v3 =	vperm.xlane v3, v2;
	v4 =	vadd.s32 v1, v4;
	_ =	sdelay $0x1  }
0x34: {  	v3 =	vadd.s32 v1, v3;
	_ =	sdelay $0x2  }
0x35: {  	[tilespmem:s20], [sflag:$0x1] =	stream.indirect_vreg.gather [hbm4b:s1+s3], $0x80, v4, vm0, $0xb8;
	[tilespmem:$0x10200] =	vst v63  }
0x36: {  	_ = 	snop  }
0x37: {  	[tilespmem:s21], [sflag:$0x1] =	stream.indirect_vreg.gather [hbm4b:s1+s3], $0x80, v3, vm0, $0xb8;
	[tilespmem:$0x10200] =	vst v63  }
0x38: {  	v3 =	vld [tilespmem:$0x30];
	_ =	sdelay $0x4  }
0x39: {  	v35 =	vshll.u32 v3, $0x1  }
0x3a: {  	v3 =	vand.u32 $0x7, v3;
	v4 =	vand.u32 $0xFFFFFFF0, v35  }
0x3b: {  	v3 =	vor.u32 v3, v4  }
0x3c: {  	v4 =	vperm.xlane v3, v0;
	_ =	sdelay $0x1  }
0x3d: {  	v3 =	vperm.xlane v3, v2;
	v4 =	vadd.s32 v1, v4;
	_ =	sdelay $0x1  }
0x3e: {  	v3 =	vadd.s32 v1, v3;
	_ =	sdelay $0x2  }
0x3f: {  	[tilespmem:s23], [sflag:$0x1] =	stream.indirect_vreg.gather [hbm4b:s1+s3], $0x80, v4, vm0, $0xb8;
	[tilespmem:$0x10200] =	vst v63  }
0x40: {  	_ = 	snop  }
0x41: {  	[tilespmem:s24], [sflag:$0x1] =	stream.indirect_vreg.gather [hbm4b:s1+s3], $0x80, v3, vm0, $0xb8;
	[tilespmem:$0x10200] =	vst v63  }
0x42: {  	v3 =	vld [tilespmem:$0x40];
	_ =	sdelay $0x4  }
0x43: {  	v36 =	vshll.u32 v3, $0x1  }
0x44: {  	v3 =	vand.u32 $0x7, v3;
	v4 =	vand.u32 $0xFFFFFFF0, v36  }
0x45: {  	v3 =	vor.u32 v3, v4  }
0x46: {  	v4 =	vperm.xlane v3, v0;
	_ =	sdelay $0x1  }
0x47: {  	v3 =	vperm.xlane v3, v2;
	v4 =	vadd.s32 v1, v4;
	_ =	sdelay $0x1  }
0x48: {  	v3 =	vadd.s32 v1, v3;
	_ =	sdelay $0x2  }
0x49: {  	[tilespmem:s25], [sflag:$0x1] =	stream.indirect_vreg.gather [hbm4b:s1+s3], $0x80, v4, vm0, $0xb8;
	[tilespmem:$0x10200] =	vst v63  }
0x4a: {  	_ = 	snop  }
0x4b: {  	[tilespmem:s26], [sflag:$0x1] =	stream.indirect_vreg.gather [hbm4b:s1+s3], $0x80, v3, vm0, $0xb8;
	[tilespmem:$0x10200] =	vst v63  }
0x4c: {  	v3 =	vld [tilespmem:$0x50];
	_ =	sdelay $0x4  }
0x4d: {  	v37 =	vshll.u32 v3, $0x1  }
0x4e: {  	v3 =	vand.u32 $0x7, v3;
	v4 =	vand.u32 $0xFFFFFFF0, v37  }
0x4f: {  	v3 =	vor.u32 v3, v4  }
0x50: {  	v4 =	vperm.xlane v3, v0;
	_ =	sdelay $0x1  }
0x51: {  	v3 =	vperm.xlane v3, v2;
	v4 =	vadd.s32 v1, v4;
	_ =	sdelay $0x1  }
0x52: {  	v3 =	vadd.s32 v1, v3;
	_ =	sdelay $0x2  }
0x53: {  	[tilespmem:s28], [sflag:$0x1] =	stream.indirect_vreg.gather [hbm4b:s1+s3], $0x80, v4, vm0, $0xb8;
	[tilespmem:$0x10200] =	vst v63  }
0x54: {  	_ = 	snop  }
0x55: {  	[tilespmem:s29], [sflag:$0x1] =	stream.indirect_vreg.gather [hbm4b:s1+s3], $0x80, v3, vm0, $0xb8;
	[tilespmem:$0x10200] =	vst v63  }
0x56: {  	v3 =	vld [tilespmem:$0x60];
	_ =	sdelay $0x4  }
0x57: {  	v38 =	vshll.u32 v3, $0x1  }
0x58: {  	v3 =	vand.u32 $0x7, v3;
	v4 =	vand.u32 $0xFFFFFFF0, v38  }
0x59: {  	v3 =	vor.u32 v3, v4  }
0x5a: {  	v4 =	vperm.xlane v3, v0;
	_ =	sdelay $0x1  }
0x5b: {  	v3 =	vperm.xlane v3, v2;
	v4 =	vadd.s32 v1, v4;
	_ =	sdelay $0x1  }
0x5c: {  	v3 =	vadd.s32 v1, v3;
	_ =	sdelay $0x2  }
0x5d: {  	[tilespmem:s30], [sflag:$0x1] =	stream.indirect_vreg.gather [hbm4b:s1+s3], $0x80, v4, vm0, $0xb8;
	[tilespmem:$0x10200] =	vst v63  }
0x5e: {  	_ = 	snop  }
0x5f: {  	[tilespmem:s31], [sflag:$0x1] =	stream.indirect_vreg.gather [hbm4b:s1+s3], $0x80, v3, vm0, $0xb8;
	[tilespmem:$0x10200] =	vst v63  }
0x60: {  	v3 =	vld [tilespmem:$0x70];
	_ =	sdelay $0x4  }
0x61: {  	v39 =	vshll.u32 v3, $0x1  }
0x62: {  	v3 =	vand.u32 $0x7, v3;
	v4 =	vand.u32 $0xFFFFFFF0, v39  }
0x63: {  	v3 =	vor.u32 v3, v4  }
0x64: {  	v4 =	vperm.xlane v3, v0;
	_ =	sdelay $0x1  }
0x65: {  	v3 =	vperm.xlane v3, v2;
	v4 =	vadd.s32 v1, v4;
	_ =	sdelay $0x1  }
0x66: {  	v3 =	vadd.s32 v1, v3;
	_ =	sdelay $0x1  }
0x67: {  	s2 =	simm.s32 $0x7200  }
0x68: {  	[tilespmem:s2], [sflag:$0x1] =	stream.indirect_vreg.gather [hbm4b:s1+s3], $0x80, v4, vm0, $0xb8;
	[tilespmem:$0x10200] =	vst v63  }
0x69: {  	_ = 	snop  }
0x6a: {  	[tilespmem:s5], [sflag:$0x1] =	stream.indirect_vreg.gather [hbm4b:s1+s3], $0x80, v3, vm0, $0xb8;
	[tilespmem:$0x10200] =	vst v63  }
0x6b: {  	v3 =	vld [tilespmem:$0x80];
	_ =	sdelay $0x4  }
0x6c: {  	v40 =	vshll.u32 v3, $0x1  }
0x6d: {  	v3 =	vand.u32 $0x7, v3;
	v4 =	vand.u32 $0xFFFFFFF0, v40  }
0x6e: {  	v3 =	vor.u32 v3, v4  }
0x6f: {  	v4 =	vperm.xlane v3, v0;
	_ =	sdelay $0x1  }
0x70: {  	v3 =	vperm.xlane v3, v2;
	v4 =	vadd.s32 v1, v4;
	_ =	sdelay $0x1  }
0x71: {  	v3 =	vadd.s32 v1, v3;
	_ =	sdelay $0x1  }
0x72: {  	s0 =	simm.s32 $0x8200  }
0x73: {  	[tilespmem:s0], [sflag:$0x2] =	stream.indirect_vreg.gather [hbm4b:s1+s3], $0x80, v4, vm0, $0xb8;
	[tilespmem:$0x10200] =	vst v63  }
0x74: {  	_ = 	snop  }
0x75: {  	[tilespmem:s7], [sflag:$0x2] =	stream.indirect_vreg.gather [hbm4b:s1+s3], $0x80, v3, vm0, $0xb8;
	[tilespmem:$0x10200] =	vst v63  }
0x76: {  	v3 =	vld [tilespmem:$0x90];
	_ =	sdelay $0x4  }
0x77: {  	v41 =	vshll.u32 v3, $0x1  }
0x78: {  	v3 =	vand.u32 $0x7, v3;
	v4 =	vand.u32 $0xFFFFFFF0, v41  }
0x79: {  	v3 =	vor.u32 v3, v4  }
0x7a: {  	v4 =	vperm.xlane v3, v0;
	_ =	sdelay $0x1  }
0x7b: {  	v3 =	vperm.xlane v3, v2;
	v4 =	vadd.s32 v1, v4;
	_ =	sdelay $0x1  }
0x7c: {  	v3 =	vadd.s32 v1, v3;
	_ =	sdelay $0x2  }
0x7d: {  	[tilespmem:s8], [sflag:$0x2] =	stream.indirect_vreg.gather [hbm4b:s1+s3], $0x80, v4, vm0, $0xb8;
	[tilespmem:$0x10200] =	vst v63  }
0x7e: {  	_ = 	snop  }
0x7f: {  	[tilespmem:s9], [sflag:$0x2] =	stream.indirect_vreg.gather [hbm4b:s1+s3], $0x80, v3, vm0, $0xb8;
	[tilespmem:$0x10200] =	vst v63  }
0x80: {  	v3 =	vld [tilespmem:$0xA0];
	_ =	sdelay $0x4  }
0x81: {  	v42 =	vshll.u32 v3, $0x1  }
0x82: {  	v3 =	vand.u32 $0x7, v3;
	v4 =	vand.u32 $0xFFFFFFF0, v42  }
0x83: {  	v3 =	vor.u32 v3, v4  }
0x84: {  	v4 =	vperm.xlane v3, v0;
	_ =	sdelay $0x1  }
0x85: {  	v3 =	vperm.xlane v3, v2;
	v4 =	vadd.s32 v1, v4;
	_ =	sdelay $0x1  }
0x86: {  	v3 =	vadd.s32 v1, v3;
	_ =	sdelay $0x2  }
0x87: {  	[tilespmem:s10], [sflag:$0x2] =	stream.indirect_vreg.gather [hbm4b:s1+s3], $0x80, v4, vm0, $0xb8;
	[tilespmem:$0x10200] =	vst v63  }
0x88: {  	_ = 	snop  }
0x89: {  	[tilespmem:s11], [sflag:$0x2] =	stream.indirect_vreg.gather [hbm4b:s1+s3], $0x80, v3, vm0, $0xb8;
	[tilespmem:$0x10200] =	vst v63  }
0x8a: {  	v3 =	vld [tilespmem:$0xB0];
	_ =	sdelay $0x4  }
0x8b: {  	v43 =	vshll.u32 v3, $0x1  }
0x8c: {  	v3 =	vand.u32 $0x7, v3;
	v4 =	vand.u32 $0xFFFFFFF0, v43  }
0x8d: {  	v3 =	vor.u32 v3, v4  }
0x8e: {  	v4 =	vperm.xlane v3, v0;
	_ =	sdelay $0x1  }
0x8f: {  	v3 =	vperm.xlane v3, v2;
	v4 =	vadd.s32 v1, v4;
	_ =	sdelay $0x1  }
0x90: {  	v3 =	vadd.s32 v1, v3;
	_ =	sdelay $0x2  }
0x91: {  	[tilespmem:s22], [sflag:$0x2] =	stream.indirect_vreg.gather [hbm4b:s1+s3], $0x80, v4, vm0, $0xb8;
	[tilespmem:$0x10200] =	vst v63  }
0x92: {  	s12 =	simm.s32 $0xBA00  }
0x93: {  	[tilespmem:s12], [sflag:$0x2] =	stream.indirect_vreg.gather [hbm4b:s1+s3], $0x80, v3, vm0, $0xb8;
	[tilespmem:$0x10200] =	vst v63  }
0x94: {  	v3 =	vld [tilespmem:$0xC0];
	_ =	sdelay $0x4  }
0x95: {  	v44 =	vshll.u32 v3, $0x1  }
0x96: {  	v3 =	vand.u32 $0x7, v3;
	v4 =	vand.u32 $0xFFFFFFF0, v44  }
0x97: {  	v3 =	vor.u32 v3, v4  }
0x98: {  	v4 =	vperm.xlane v3, v0;
	_ =	sdelay $0x1  }
0x99: {  	v3 =	vperm.xlane v3, v2;
	v4 =	vadd.s32 v1, v4;
	_ =	sdelay $0x1  }
0x9a: {  	v3 =	vadd.s32 v1, v3;
	_ =	sdelay $0x1  }
0x9b: {  	s16 =	simm.s32 $0xC200  }
0x9c: {  	[tilespmem:s16], [sflag:$0x2] =	stream.indirect_vreg.gather [hbm4b:s1+s3], $0x80, v4, vm0, $0xb8;
	[tilespmem:$0x10200] =	vst v63  }
0x9d: {  	s16 =	simm.s32 $0xCA00  }
0x9e: {  	[tilespmem:s16], [sflag:$0x2] =	stream.indirect_vreg.gather [hbm4b:s1+s3], $0x80, v3, vm0, $0xb8;
	[tilespmem:$0x10200] =	vst v63  }
0x9f: {  	v3 =	vld [tilespmem:$0xD0];
	_ =	sdelay $0x4  }
0xa0: {  	v45 =	vshll.u32 v3, $0x1  }
0xa1: {  	v3 =	vand.u32 $0x7, v3;
	v4 =	vand.u32 $0xFFFFFFF0, v45  }
0xa2: {  	v3 =	vor.u32 v3, v4  }
0xa3: {  	v4 =	vperm.xlane v3, v0;
	_ =	sdelay $0x1  }
0xa4: {  	v3 =	vperm.xlane v3, v2;
	v4 =	vadd.s32 v1, v4;
	_ =	sdelay $0x1  }
0xa5: {  	v3 =	vadd.s32 v1, v3;
	_ =	sdelay $0x1  }
0xa6: {  	s16 =	simm.s32 $0xD200  }
0xa7: {  	[tilespmem:s16], [sflag:$0x2] =	stream.indirect_vreg.gather [hbm4b:s1+s3], $0x80, v4, vm0, $0xb8;
	[tilespmem:$0x10200] =	vst v63  }
0xa8: {  	s16 =	simm.s32 $0xDA00  }
0xa9: {  	[tilespmem:s16], [sflag:$0x2] =	stream.indirect_vreg.gather [hbm4b:s1+s3], $0x80, v3, vm0, $0xb8;
	[tilespmem:$0x10200] =	vst v63  }
0xaa: {  	v3 =	vld [tilespmem:$0xE0];
	_ =	sdelay $0x4  }
0xab: {  	v46 =	vshll.u32 v3, $0x1  }
0xac: {  	v3 =	vand.u32 $0x7, v3;
	v4 =	vand.u32 $0xFFFFFFF0, v46  }
0xad: {  	v3 =	vor.u32 v3, v4  }
0xae: {  	v4 =	vperm.xlane v3, v0;
	_ =	sdelay $0x1  }
0xaf: {  	v3 =	vperm.xlane v3, v2;
	v4 =	vadd.s32 v1, v4;
	_ =	sdelay $0x1  }
0xb0: {  	v3 =	vadd.s32 v1, v3;
	_ =	sdelay $0x1  }
0xb1: {  	s16 =	simm.s32 $0xE200  }
0xb2: {  	[tilespmem:s16], [sflag:$0x2] =	stream.indirect_vreg.gather [hbm4b:s1+s3], $0x80, v4, vm0, $0xb8;
	[tilespmem:$0x10200] =	vst v63  }
0xb3: {  	s16 =	simm.s32 $0xEA00  }
0xb4: {  	[tilespmem:s16], [sflag:$0x2] =	stream.indirect_vreg.gather [hbm4b:s1+s3], $0x80, v3, vm0, $0xb8;
	[tilespmem:$0x10200] =	vst v63  }
0xb5: {  	v3 =	vld [tilespmem:$0xF0];
	_ =	sdelay $0x4  }
0xb6: {  	v47 =	vshll.u32 v3, $0x1  }
0xb7: {  	v3 =	vand.u32 $0x7, v3;
	v4 =	vand.u32 $0xFFFFFFF0, v47  }
0xb8: {  	v3 =	vor.u32 v3, v4  }
0xb9: {  	v4 =	vperm.xlane v3, v0;
	_ =	sdelay $0x1  }
0xba: {  	v3 =	vperm.xlane v3, v2;
	v4 =	vadd.s32 v1, v4;
	_ =	sdelay $0x1  }
0xbb: {  	v3 =	vadd.s32 v1, v3;
	_ =	sdelay $0x1  }
0xbc: {  	s16 =	simm.s32 $0xF200  }
0xbd: {  	[tilespmem:s16], [sflag:$0x2] =	stream.indirect_vreg.gather [hbm4b:s1+s3], $0x80, v4, vm0, $0xb8;
	[tilespmem:$0x10200] =	vst v63  }
0xbe: {  	s16 =	simm.s32 $0xFA00  }
0xbf: {  	[tilespmem:s16], [sflag:$0x2] =	stream.indirect_vreg.gather [hbm4b:s1+s3], $0x80, v3, vm0, $0xb8;
	[tilespmem:$0x10200] =	vst v63  }
0xc0: {  	_ =	swait.ge [sflag:s6], $0x8000  }
0xc1: {  	[sflag:s6] =	ssyncset.done $0x0  }
0xc2: {  	s12 =	simm.s32 $0x200;
	s16 =	rddreg [dreg:$0x5];
	[sflag:s6] =	ssyncadd.s32 $0xFFFF8000  }
0xc3: {  	[hbm4b:s16+s3] =	stream.linear.scatter [tilespmem:s12], [sflag:$0x3], $0x8000, $0x38;
	[tilespmem:$0x10200] =	vst v63  }
0xc4: {  	_ =	swait.ge [sflag:s13], $0x8000  }
0xc5: {  	[sflag:s13] =	ssyncset.done $0x0  }
0xc6: {  	s16 =	rddreg [dreg:$0x6];
	[sflag:s13] =	ssyncadd.s32 $0xFFFF8000  }
0xc7: {  	[hbm4b:s16+s3] =	stream.linear.scatter [tilespmem:s0], [sflag:$0x4], $0x8000, $0x38;
	[tilespmem:$0x10200] =	vst v63  }
0xc8: {  	_ =	swait.ge [sflag:s14], $0x8000  }
0xc9: {  	[sflag:s14] =	ssyncset.done $0x0  }
0xca: {  	[sflag:s14] =	ssyncadd.s32 $0xFFFF8000  }
0xcb: {  	v3 =	vld [tilespmem:$0x100];
	_ =	sdelay $0x4  }
0xcc: {  	v48 =	vshll.u32 v3, $0x1  }
0xcd: {  	v3 =	vand.u32 $0x7, v3;
	v4 =	vand.u32 $0xFFFFFFF0, v48  }
0xce: {  	v3 =	vor.u32 v3, v4  }
0xcf: {  	v4 =	vperm.xlane v3, v0;
	_ =	sdelay $0x1  }
0xd0: {  	v3 =	vperm.xlane v3, v2;
	v4 =	vadd.s32 v1, v4;
	_ =	sdelay $0x1  }
0xd1: {  	v3 =	vadd.s32 v1, v3;
	_ =	sdelay $0x2  }
0xd2: {  	[tilespmem:s12], [sflag:$0x1] =	stream.indirect_vreg.gather [hbm4b:s1+s3], $0x80, v4, vm0, $0xb8;
	[tilespmem:$0x10200] =	vst v63  }
0xd3: {  	_ = 	snop  }
0xd4: {  	[tilespmem:s17], [sflag:$0x1] =	stream.indirect_vreg.gather [hbm4b:s1+s3], $0x80, v3, vm0, $0xb8;
	[tilespmem:$0x10200] =	vst v63  }
0xd5: {  	v3 =	vld [tilespmem:$0x110];
	_ =	sdelay $0x4  }
0xd6: {  	v49 =	vshll.u32 v3, $0x1  }
0xd7: {  	v3 =	vand.u32 $0x7, v3;
	v4 =	vand.u32 $0xFFFFFFF0, v49  }
0xd8: {  	v3 =	vor.u32 v3, v4  }
0xd9: {  	v4 =	vperm.xlane v3, v0;
	_ =	sdelay $0x1  }
0xda: {  	v3 =	vperm.xlane v3, v2;
	v4 =	vadd.s32 v1, v4;
	_ =	sdelay $0x1  }
0xdb: {  	v3 =	vadd.s32 v1, v3;
	_ =	sdelay $0x2  }
0xdc: {  	[tilespmem:s18], [sflag:$0x1] =	stream.indirect_vreg.gather [hbm4b:s1+s3], $0x80, v4, vm0, $0xb8;
	[tilespmem:$0x10200] =	vst v63  }
0xdd: {  	_ = 	snop  }
0xde: {  	[tilespmem:s19], [sflag:$0x1] =	stream.indirect_vreg.gather [hbm4b:s1+s3], $0x80, v3, vm0, $0xb8;
	[tilespmem:$0x10200] =	vst v63  }
0xdf: {  	v3 =	vld [tilespmem:$0x120];
	_ =	sdelay $0x4  }
0xe0: {  	v50 =	vshll.u32 v3, $0x1  }
0xe1: {  	v3 =	vand.u32 $0x7, v3;
	v4 =	vand.u32 $0xFFFFFFF0, v50  }
0xe2: {  	v3 =	vor.u32 v3, v4  }
0xe3: {  	v4 =	vperm.xlane v3, v0;
	_ =	sdelay $0x1  }
0xe4: {  	v3 =	vperm.xlane v3, v2;
	v4 =	vadd.s32 v1, v4;
	_ =	sdelay $0x1  }
0xe5: {  	v3 =	vadd.s32 v1, v3;
	_ =	sdelay $0x2  }
0xe6: {  	[tilespmem:s20], [sflag:$0x1] =	stream.indirect_vreg.gather [hbm4b:s1+s3], $0x80, v4, vm0, $0xb8;
	[tilespmem:$0x10200] =	vst v63  }
0xe7: {  	_ = 	snop  }
0xe8: {  	[tilespmem:s21], [sflag:$0x1] =	stream.indirect_vreg.gather [hbm4b:s1+s3], $0x80, v3, vm0, $0xb8;
	[tilespmem:$0x10200] =	vst v63  }
0xe9: {  	v3 =	vld [tilespmem:$0x130];
	_ =	sdelay $0x4  }
0xea: {  	v51 =	vshll.u32 v3, $0x1  }
0xeb: {  	v3 =	vand.u32 $0x7, v3;
	v4 =	vand.u32 $0xFFFFFFF0, v51  }
0xec: {  	v3 =	vor.u32 v3, v4  }
0xed: {  	v4 =	vperm.xlane v3, v0;
	_ =	sdelay $0x1  }
0xee: {  	v3 =	vperm.xlane v3, v2;
	v4 =	vadd.s32 v1, v4;
	_ =	sdelay $0x1  }
0xef: {  	v3 =	vadd.s32 v1, v3;
	_ =	sdelay $0x2  }
0xf0: {  	[tilespmem:s23], [sflag:$0x1] =	stream.indirect_vreg.gather [hbm4b:s1+s3], $0x80, v4, vm0, $0xb8;
	[tilespmem:$0x10200] =	vst v63  }
0xf1: {  	_ = 	snop  }
0xf2: {  	[tilespmem:s24], [sflag:$0x1] =	stream.indirect_vreg.gather [hbm4b:s1+s3], $0x80, v3, vm0, $0xb8;
	[tilespmem:$0x10200] =	vst v63  }
0xf3: {  	v3 =	vld [tilespmem:$0x140];
	_ =	sdelay $0x4  }
0xf4: {  	v52 =	vshll.u32 v3, $0x1  }
0xf5: {  	v3 =	vand.u32 $0x7, v3;
	v4 =	vand.u32 $0xFFFFFFF0, v52  }
0xf6: {  	v3 =	vor.u32 v3, v4  }
0xf7: {  	v4 =	vperm.xlane v3, v0;
	_ =	sdelay $0x1  }
0xf8: {  	v3 =	vperm.xlane v3, v2;
	v4 =	vadd.s32 v1, v4;
	_ =	sdelay $0x1  }
0xf9: {  	v3 =	vadd.s32 v1, v3;
	_ =	sdelay $0x2  }
0xfa: {  	[tilespmem:s25], [sflag:$0x1] =	stream.indirect_vreg.gather [hbm4b:s1+s3], $0x80, v4, vm0, $0xb8;
	[tilespmem:$0x10200] =	vst v63  }
0xfb: {  	_ = 	snop  }
0xfc: {  	[tilespmem:s26], [sflag:$0x1] =	stream.indirect_vreg.gather [hbm4b:s1+s3], $0x80, v3, vm0, $0xb8;
	[tilespmem:$0x10200] =	vst v63  }
0xfd: {  	v3 =	vld [tilespmem:$0x150];
	_ =	sdelay $0x4  }
0xfe: {  	v53 =	vshll.u32 v3, $0x1  }
0xff: {  	v3 =	vand.u32 $0x7, v3;
	v4 =	vand.u32 $0xFFFFFFF0, v53  }
0x100: {  	v3 =	vor.u32 v3, v4  }
0x101: {  	v4 =	vperm.xlane v3, v0;
	_ =	sdelay $0x1  }
0x102: {  	v3 =	vperm.xlane v3, v2;
	v4 =	vadd.s32 v1, v4;
	_ =	sdelay $0x1  }
0x103: {  	v3 =	vadd.s32 v1, v3;
	_ =	sdelay $0x2  }
0x104: {  	[tilespmem:s28], [sflag:$0x1] =	stream.indirect_vreg.gather [hbm4b:s1+s3], $0x80, v4, vm0, $0xb8;
	[tilespmem:$0x10200] =	vst v63  }
0x105: {  	_ = 	snop  }
0x106: {  	[tilespmem:s29], [sflag:$0x1] =	stream.indirect_vreg.gather [hbm4b:s1+s3], $0x80, v3, vm0, $0xb8;
	[tilespmem:$0x10200] =	vst v63  }
0x107: {  	v3 =	vld [tilespmem:$0x160];
	_ =	sdelay $0x4  }
0x108: {  	v54 =	vshll.u32 v3, $0x1  }
0x109: {  	v3 =	vand.u32 $0x7, v3;
	v4 =	vand.u32 $0xFFFFFFF0, v54  }
0x10a: {  	v3 =	vor.u32 v3, v4  }
0x10b: {  	v4 =	vperm.xlane v3, v0;
	_ =	sdelay $0x1  }
0x10c: {  	v3 =	vperm.xlane v3, v2;
	v4 =	vadd.s32 v1, v4;
	_ =	sdelay $0x1  }
0x10d: {  	v3 =	vadd.s32 v1, v3;
	_ =	sdelay $0x2  }
0x10e: {  	[tilespmem:s30], [sflag:$0x1] =	stream.indirect_vreg.gather [hbm4b:s1+s3], $0x80, v4, vm0, $0xb8;
	[tilespmem:$0x10200] =	vst v63  }
0x10f: {  	_ = 	snop  }
0x110: {  	[tilespmem:s31], [sflag:$0x1] =	stream.indirect_vreg.gather [hbm4b:s1+s3], $0x80, v3, vm0, $0xb8;
	[tilespmem:$0x10200] =	vst v63  }
0x111: {  	v3 =	vld [tilespmem:$0x170];
	_ =	sdelay $0x4  }
0x112: {  	v55 =	vshll.u32 v3, $0x1  }
0x113: {  	v3 =	vand.u32 $0x7, v3;
	v4 =	vand.u32 $0xFFFFFFF0, v55  }
0x114: {  	v3 =	vor.u32 v3, v4  }
0x115: {  	v4 =	vperm.xlane v3, v0;
	_ =	sdelay $0x1  }
0x116: {  	v3 =	vperm.xlane v3, v2;
	v4 =	vadd.s32 v1, v4;
	_ =	sdelay $0x1  }
0x117: {  	v3 =	vadd.s32 v1, v3;
	_ =	sdelay $0x2  }
0x118: {  	[tilespmem:s2], [sflag:$0x1] =	stream.indirect_vreg.gather [hbm4b:s1+s3], $0x80, v4, vm0, $0xb8;
	[tilespmem:$0x10200] =	vst v63  }
0x119: {  	_ = 	snop  }
0x11a: {  	[tilespmem:s5], [sflag:$0x1] =	stream.indirect_vreg.gather [hbm4b:s1+s3], $0x80, v3, vm0, $0xb8;
	[tilespmem:$0x10200] =	vst v63  }
0x11b: {  	_ =	swait.ge [sflag:s15], $0x8000  }
0x11c: {  	[sflag:s15] =	ssyncset.done $0x0  }
0x11d: {  	[sflag:s15] =	ssyncadd.s32 $0xFFFF8000  }
0x11e: {  	v3 =	vld [tilespmem:$0x180];
	_ =	sdelay $0x4  }
0x11f: {  	v56 =	vshll.u32 v3, $0x1  }
0x120: {  	v3 =	vand.u32 $0x7, v3;
	v4 =	vand.u32 $0xFFFFFFF0, v56  }
0x121: {  	v3 =	vor.u32 v3, v4  }
0x122: {  	v4 =	vperm.xlane v3, v0;
	_ =	sdelay $0x1  }
0x123: {  	v3 =	vperm.xlane v3, v2;
	v4 =	vadd.s32 v1, v4;
	_ =	sdelay $0x1  }
0x124: {  	v3 =	vadd.s32 v1, v3;
	_ =	sdelay $0x2  }
0x125: {  	[tilespmem:s0], [sflag:$0x2] =	stream.indirect_vreg.gather [hbm4b:s1+s3], $0x80, v4, vm0, $0xb8;
	[tilespmem:$0x10200] =	vst v63  }
0x126: {  	_ = 	snop  }
0x127: {  	[tilespmem:s7], [sflag:$0x2] =	stream.indirect_vreg.gather [hbm4b:s1+s3], $0x80, v3, vm0, $0xb8;
	[tilespmem:$0x10200] =	vst v63  }
0x128: {  	v3 =	vld [tilespmem:$0x190];
	_ =	sdelay $0x4  }
0x129: {  	v57 =	vshll.u32 v3, $0x1  }
0x12a: {  	v3 =	vand.u32 $0x7, v3;
	v4 =	vand.u32 $0xFFFFFFF0, v57  }
0x12b: {  	v3 =	vor.u32 v3, v4  }
0x12c: {  	v4 =	vperm.xlane v3, v0;
	_ =	sdelay $0x1  }
0x12d: {  	v3 =	vperm.xlane v3, v2;
	v4 =	vadd.s32 v1, v4;
	_ =	sdelay $0x1  }
0x12e: {  	v3 =	vadd.s32 v1, v3;
	_ =	sdelay $0x2  }
0x12f: {  	[tilespmem:s8], [sflag:$0x2] =	stream.indirect_vreg.gather [hbm4b:s1+s3], $0x80, v4, vm0, $0xb8;
	[tilespmem:$0x10200] =	vst v63  }
0x130: {  	_ = 	snop  }
0x131: {  	[tilespmem:s9], [sflag:$0x2] =	stream.indirect_vreg.gather [hbm4b:s1+s3], $0x80, v3, vm0, $0xb8;
	[tilespmem:$0x10200] =	vst v63  }
0x132: {  	v3 =	vld [tilespmem:$0x1A0];
	_ =	sdelay $0x4  }
0x133: {  	v58 =	vshll.u32 v3, $0x1  }
0x134: {  	v3 =	vand.u32 $0x7, v3;
	v4 =	vand.u32 $0xFFFFFFF0, v58  }
0x135: {  	v3 =	vor.u32 v3, v4  }
0x136: {  	v4 =	vperm.xlane v3, v0;
	_ =	sdelay $0x1  }
0x137: {  	v3 =	vperm.xlane v3, v2;
	v4 =	vadd.s32 v1, v4;
	_ =	sdelay $0x1  }
0x138: {  	v3 =	vadd.s32 v1, v3;
	_ =	sdelay $0x2  }
0x139: {  	[tilespmem:s10], [sflag:$0x2] =	stream.indirect_vreg.gather [hbm4b:s1+s3], $0x80, v4, vm0, $0xb8;
	[tilespmem:$0x10200] =	vst v63  }
0x13a: {  	_ = 	snop  }
0x13b: {  	[tilespmem:s11], [sflag:$0x2] =	stream.indirect_vreg.gather [hbm4b:s1+s3], $0x80, v3, vm0, $0xb8;
	[tilespmem:$0x10200] =	vst v63  }
0x13c: {  	v3 =	vld [tilespmem:$0x1B0];
	_ =	sdelay $0x4  }
0x13d: {  	v59 =	vshll.u32 v3, $0x1  }
0x13e: {  	v3 =	vand.u32 $0x7, v3;
	v4 =	vand.u32 $0xFFFFFFF0, v59  }
0x13f: {  	v3 =	vor.u32 v3, v4  }
0x140: {  	v4 =	vperm.xlane v3, v0;
	_ =	sdelay $0x1  }
0x141: {  	v3 =	vperm.xlane v3, v2;
	v4 =	vadd.s32 v1, v4;
	_ =	sdelay $0x1  }
0x142: {  	v3 =	vadd.s32 v1, v3;
	_ =	sdelay $0x2  }
0x143: {  	[tilespmem:s22], [sflag:$0x2] =	stream.indirect_vreg.gather [hbm4b:s1+s3], $0x80, v4, vm0, $0xb8;
	[tilespmem:$0x10200] =	vst v63  }
0x144: {  	s16 =	simm.s32 $0xBA00  }
0x145: {  	[tilespmem:s16], [sflag:$0x2] =	stream.indirect_vreg.gather [hbm4b:s1+s3], $0x80, v3, vm0, $0xb8;
	[tilespmem:$0x10200] =	vst v63  }
0x146: {  	v3 =	vld [tilespmem:$0x1C0];
	_ =	sdelay $0x4  }
0x147: {  	v60 =	vshll.u32 v3, $0x1  }
0x148: {  	v3 =	vand.u32 $0x7, v3;
	v4 =	vand.u32 $0xFFFFFFF0, v60  }
0x149: {  	v3 =	vor.u32 v3, v4  }
0x14a: {  	v4 =	vperm.xlane v3, v0;
	_ =	sdelay $0x1  }
0x14b: {  	v3 =	vperm.xlane v3, v2;
	v4 =	vadd.s32 v1, v4;
	_ =	sdelay $0x1  }
0x14c: {  	v3 =	vadd.s32 v1, v3;
	_ =	sdelay $0x1  }
0x14d: {  	s16 =	simm.s32 $0xC200  }
0x14e: {  	[tilespmem:s16], [sflag:$0x2] =	stream.indirect_vreg.gather [hbm4b:s1+s3], $0x80, v4, vm0, $0xb8;
	[tilespmem:$0x10200] =	vst v63  }
0x14f: {  	s16 =	simm.s32 $0xCA00  }
0x150: {  	[tilespmem:s16], [sflag:$0x2] =	stream.indirect_vreg.gather [hbm4b:s1+s3], $0x80, v3, vm0, $0xb8;
	[tilespmem:$0x10200] =	vst v63  }
0x151: {  	v3 =	vld [tilespmem:$0x1D0];
	_ =	sdelay $0x4  }
0x152: {  	v61 =	vshll.u32 v3, $0x1  }
0x153: {  	v3 =	vand.u32 $0x7, v3;
	v4 =	vand.u32 $0xFFFFFFF0, v61  }
0x154: {  	v3 =	vor.u32 v3, v4  }
0x155: {  	v4 =	vperm.xlane v3, v0;
	_ =	sdelay $0x1  }
0x156: {  	v3 =	vperm.xlane v3, v2;
	v4 =	vadd.s32 v1, v4;
	_ =	sdelay $0x1  }
0x157: {  	v3 =	vadd.s32 v1, v3;
	_ =	sdelay $0x1  }
0x158: {  	s16 =	simm.s32 $0xD200  }
0x159: {  	[tilespmem:s16], [sflag:$0x2] =	stream.indirect_vreg.gather [hbm4b:s1+s3], $0x80, v4, vm0, $0xb8;
	[tilespmem:$0x10200] =	vst v63  }
0x15a: {  	s16 =	simm.s32 $0xDA00  }
0x15b: {  	[tilespmem:s16], [sflag:$0x2] =	stream.indirect_vreg.gather [hbm4b:s1+s3], $0x80, v3, vm0, $0xb8;
	[tilespmem:$0x10200] =	vst v63  }
0x15c: {  	v3 =	vld [tilespmem:$0x1E0];
	_ =	sdelay $0x4  }
0x15d: {  	v62 =	vshll.u32 v3, $0x1  }
0x15e: {  	v3 =	vand.u32 $0x7, v3;
	v4 =	vand.u32 $0xFFFFFFF0, v62  }
0x15f: {  	v3 =	vor.u32 v3, v4  }
0x160: {  	v4 =	vperm.xlane v3, v0;
	_ =	sdelay $0x1  }
0x161: {  	v3 =	vperm.xlane v3, v2;
	v4 =	vadd.s32 v1, v4;
	_ =	sdelay $0x1  }
0x162: {  	v3 =	vadd.s32 v1, v3;
	_ =	sdelay $0x1  }
0x163: {  	s16 =	simm.s32 $0xE200  }
0x164: {  	[tilespmem:s16], [sflag:$0x2] =	stream.indirect_vreg.gather [hbm4b:s1+s3], $0x80, v4, vm0, $0xb8;
	[tilespmem:$0x10200] =	vst v63  }
0x165: {  	s16 =	simm.s32 $0xEA00  }
0x166: {  	[tilespmem:s16], [sflag:$0x2] =	stream.indirect_vreg.gather [hbm4b:s1+s3], $0x80, v3, vm0, $0xb8;
	[tilespmem:$0x10200] =	vst v63  }
0x167: {  	v3 =	vld [tilespmem:$0x1F0];
	_ =	sdelay $0x4  }
0x168: {  	v63 =	vshll.u32 v3, $0x1  }
0x169: {  	v3 =	vand.u32 $0x7, v3;
	v4 =	vand.u32 $0xFFFFFFF0, v63  }
0x16a: {  	v3 =	vor.u32 v3, v4  }
0x16b: {  	v4 =	vperm.xlane v3, v0;
	_ =	sdelay $0x1  }
0x16c: {  	v3 =	vperm.xlane v3, v2;
	v4 =	vadd.s32 v1, v4;
	_ =	sdelay $0x1  }
0x16d: {  	v3 =	vadd.s32 v1, v3;
	_ =	sdelay $0x1  }
0x16e: {  	s16 =	simm.s32 $0xF200  }
0x16f: {  	[tilespmem:s16], [sflag:$0x2] =	stream.indirect_vreg.gather [hbm4b:s1+s3], $0x80, v4, vm0, $0xb8;
	[tilespmem:$0x10200] =	vst v63  }
0x170: {  	s16 =	simm.s32 $0xFA00  }
0x171: {  	[tilespmem:s16], [sflag:$0x2] =	stream.indirect_vreg.gather [hbm4b:s1+s3], $0x80, v3, vm0, $0xb8;
	[tilespmem:$0x10200] =	vst v63  }
0x172: {  	_ =	swait.ge [sflag:s6], $0x8000  }
0x173: {  	[sflag:s6] =	ssyncset.done $0x0  }
0x174: {  	s12 =	simm.s32 $0x200;
	s2 =	rddreg [dreg:$0x7];
	[sflag:s6] =	ssyncadd.s32 $0xFFFF8000  }
0x175: {  	[hbm4b:s2+s3] =	stream.linear.scatter [tilespmem:s12], [sflag:$0x3], $0x8000, $0x38;
	[tilespmem:$0x10200] =	vst v63  }
0x176: {  	_ =	swait.ge [sflag:s13], $0x8000  }
0x177: {  	[sflag:s13] =	ssyncset.done $0x0  }
0x178: {  	s12 =	rddreg [dreg:$0x8];
	[sflag:s13] =	ssyncadd.s32 $0xFFFF8000  }
0x179: {  	[hbm4b:s12+s3] =	stream.linear.scatter [tilespmem:s0], [sflag:$0x4], $0x8000, $0x38;
	[tilespmem:$0x10200] =	vst v63  }
0x17a: {  	p0 =	sne.s32 s4, $0x1;
	_ =	swait.ge [sflag:s14], $0x8000  }
.Ltmp0:
0x17b: {  	[sflag:s14] =	ssyncset.done $0x0;
	(pc) =	sbr.rel @p0 .LBB2_1-.Ltmp0, $4  }
0x17c: {  	[sflag:s14] =	ssyncadd.s32 $0xFFFF8000  }
0x17d: {  	_ =	swait.ge [sflag:s15], $0x8000  }
0x17e: {  	[sflag:s15] =	ssyncset.done $0x0  }
0x17f: {  	s4 =	sadd.s32 $0xFFFFFFFF, s4;
	[sflag:s15] =	ssyncadd.s32 $0xFFFF8000  }
0x180: {  	_ =	sfence.sel $0x180000  }
0x181: {  	[bflag:$0x0] =	sbarrier.arrive $0xFFFF  }
0x182: {  	_ =	strace $0x90000047  }
0x183: {  	s0 =	stileid.u32;
	[bflag:$0x2] =	sbarrier.arrive $0xFFFF  }
0x184: {  	p0 =	sne.s32 s0, $0x0;
	s0 =	rddreg [dreg:$0x3]  }
0x185: {  	s0 =	sadd.s32 @!p0 $0x100000, s0  }
0x186: {  	[sflag:s0] =	ssyncadd.tile.s32 @!p0 $0x1;
	_ =	shalt  }
.Lfunc_end2:
_tile_overlayer_lowered:
.L_overlay_start_2:
0x187: {  	(tag) =	ssettag $0x2  }
0x188: {  	s0 =	rddreg [dreg:$0x0];
	s2 =	stileid.u32  }
0x189: {  	s1 =	rddreg [dreg:$0x1];
	p0 =	sne.s32 s2, $0x0  }
0x18a: {  	s3 =	rddreg [dreg:$0x2];
	[bflag:$0x3] =	sbarrier.arrive $0xFFFF;
	s2 =	simm.s32 @!p0 $0x1C05  }
0x18b: {  	[timem:s3], [sflag:s2] =	dma.local @!p0 [hbm:s0], s1  }
0x18c: {  	s0 =	simm.s32 @!p0 $0x5  }
0x18d: {  	_ =	swait.ge @!p0 [sflag:s0], s1  }
0x18e: {  	s1 =	ssub.s32 @!p0 $0x0, s1;
	[sflag:s0] =	ssyncset.done @!p0 $0x0  }
0x18f: {  	[sflag:s0] =	ssyncadd.s32 @!p0 s1  }
0x190: {  	[bflag:$0x3] =	sbarrier.arrive $0xFFFF  }
0x191: {  	_ =	shalt  }

</sc_bundles>
